<compile_context>
chip_gen: v7x
topology: tpu7x:2x2x1
jax: 0.10.2.dev20260603
libtpu: 0.0.44.dev20260713+nightly
codegen_flags: <defaults>
</compile_context>

<pallas_src>
import jax
import jax.numpy as jnp
from jax import lax
from jax.experimental import pallas as pl
from jax.experimental.pallas import tpu as pltpu
from jax.experimental.pallas import tpu_sc as plsc

N_ROWS = 320000
HALF = 160000
D_MODEL = 128
NSEG = 10000
NSUB = 16
SEG_PAD = 10368
SCATTER_W = 80
CHUNK = 8 * SCATTER_W
NSCATTER = 8
ROWBUF = 160
NCHUNK = HALF // CHUNK
MAX_ITER = -(-NCHUNK // NSUB)
SEG_SLICE = SEG_PAD // NSUB


def _sc_body(x_hbm, d_hbm, za_hbm,
             sums_out,
             rowbuf, idxbuf, sums_sh):
    c = lax.axis_index("c")
    t = lax.axis_index("s")

    seg0 = pl.multiple_of(t * SEG_SLICE, SEG_SLICE)

    pltpu.sync_copy(za_hbm, rowbuf)
    for k3 in range(4):
        pltpu.sync_copy(rowbuf,
                        sums_sh.at[pl.ds(seg0 + k3 * ROWBUF, ROWBUF)])
    pltpu.sync_copy(rowbuf.at[pl.ds(0, 8)],
                    sums_sh.at[pl.ds(seg0 + 4 * ROWBUF, 8)])
    plsc.subcore_barrier()

    def chunk(i, carry):
        m = t + NSUB * i

        @pl.when(m < NCHUNK)
        def _do():
            g0 = pl.multiple_of(c * HALF + m * CHUNK, CHUNK)
            pltpu.sync_copy(
                d_hbm.at[pl.ds(pl.multiple_of(g0 // SCATTER_W, NSCATTER),
                               NSCATTER)],
                idxbuf)
            for s in range(CHUNK // ROWBUF):
                pltpu.sync_copy(
                    x_hbm.at[pl.ds(pl.multiple_of(g0 + s * ROWBUF, NSCATTER),
                                   ROWBUF)],
                    rowbuf)
                for jj in range(ROWBUF // SCATTER_W):
                    j = s * (ROWBUF // SCATTER_W) + jj
                    pltpu.sync_copy(rowbuf.at[pl.ds(jj * SCATTER_W, SCATTER_W)],
                                    sums_sh.at[idxbuf.at[j]], add=True)

        return carry

    lax.fori_loop(0, MAX_ITER, chunk, 0)
    plsc.subcore_barrier()

    out0 = pl.multiple_of(c * SEG_PAD + seg0, SEG_SLICE)
    for k2 in range(4):
        pltpu.sync_copy(sums_sh.at[pl.ds(seg0 + k2 * ROWBUF, ROWBUF)], rowbuf)
        pltpu.sync_copy(rowbuf,
                        sums_out.at[pl.ds(out0 + k2 * ROWBUF, ROWBUF)])
    pltpu.sync_copy(sums_sh.at[pl.ds(seg0 + 4 * ROWBUF, 8)],
                    rowbuf.at[pl.ds(0, 8)])
    pltpu.sync_copy(rowbuf.at[pl.ds(0, 8)],
                    sums_out.at[pl.ds(out0 + 4 * ROWBUF, 8)])


def _sc_segment_sums(x, d2):
    mesh = plsc.VectorSubcoreMesh(core_axis_name="c", subcore_axis_name="s",
                                  num_cores=2, num_subcores=16)
    k = pl.kernel(
        _sc_body,
        out_type=jax.ShapeDtypeStruct((2 * SEG_PAD, D_MODEL), jnp.float32),
        mesh=mesh,
        scratch_types=[
            pltpu.VMEM((ROWBUF, D_MODEL), jnp.float32),
            pltpu.VMEM((NSCATTER, SCATTER_W), jnp.int32),
            pltpu.VMEM_SHARED((SEG_PAD, D_MODEL), jnp.float32),
        ],
    )
    za = jnp.zeros((ROWBUF, D_MODEL), jnp.float32)
    return k(x, d2, za)


ROWBLK = 3456
NSTEP = SEG_PAD // ROWBLK


def _tc_body(s_ref, c_ref, o_ref, acc_ref):
    k = pl.program_id(0)

    @pl.when(k == 0)
    def _init():
        acc_ref[...] = jnp.zeros((4, D_MODEL), jnp.float32)

    s = s_ref[...]
    cnt = jnp.sum(c_ref[...], axis=1)[:, :, None]
    s = s / jnp.maximum(cnt, 1.0)
    mx = jnp.max(s, axis=-1, keepdims=True)
    e = jnp.exp(s - mx)
    z = jnp.sum(e, axis=-1, keepdims=True)
    p = e / z
    lp = (s - mx) - jnp.log(z)
    seg = k * ROWBLK + lax.broadcasted_iota(jnp.int32, (2, ROWBLK, 1), 1)
    live = (seg < NSEG).astype(jnp.float32)
    acc_ref[0:2, :] += jnp.sum(p * live, axis=1)
    acc_ref[2:4, :] += jnp.sum(lp * live, axis=1)

    @pl.when(k == NSTEP - 1)
    def _final():
        acc = acc_ref[...] * (1.0 / NSEG)
        mp, mn, Lp, Ln = acc[0:1], acc[1:2], acc[2:3], acc[3:4]
        lmp = jnp.log(mp)
        lmn = jnp.log(mn)
        kl1 = jnp.sum(mp * (lmp - Lp))
        kl2 = jnp.sum(mn * (lmn - Ln))
        kl3 = jnp.sum(mn * (lmn - lmp))
        kl4 = jnp.sum(mp * (lmp - lmn))
        o_ref[0, 0] = jnp.maximum(1.0 + kl1 + kl2 - 0.5 * (kl3 + kl4), 0.0)


def _tc_loss(sums, cnts):
    return pl.pallas_call(
        _tc_body,
        grid=(NSTEP,),
        in_specs=[
            pl.BlockSpec((2, ROWBLK, D_MODEL), lambda k: (0, k, 0)),
            pl.BlockSpec((2, 1, ROWBLK), lambda k: (0, 0, k)),
        ],
        out_specs=pl.BlockSpec((1, 1), lambda k: (0, 0),
                               memory_space=pltpu.SMEM),
        out_shape=jax.ShapeDtypeStruct((1, 1), jnp.float32),
        scratch_shapes=[pltpu.VMEM((4, D_MODEL), jnp.float32)],
    )(sums, cnts)


def kernel(input, D):
    d2 = D.reshape(N_ROWS // SCATTER_W, SCATTER_W)
    sums = _sc_segment_sums(input, d2)
    shift = jnp.where(jnp.arange(N_ROWS, dtype=jnp.int32) >= HALF, SEG_PAD, 0)
    cnts = jax.ops.segment_sum(jnp.ones((N_ROWS,), jnp.float32), D + shift,
                               num_segments=2 * SEG_PAD)
    loss = _tc_loss(sums.reshape(2, SEG_PAD, D_MODEL),
                    cnts.reshape(2, 1, SEG_PAD))
    return loss[0, 0]

# --- scband reference (transcript-rebuilt; emitter-appended) ---
"""Pipeline reference for scband-quadruple-loss-26482768347299 (READ-ONLY COPY).

The authoritative reference and input builder live on the scoring server;
editing this copy changes nothing except your own understanding.
"""

import jax, jax.numpy as jnp
import numpy as np
from jax.scipy.special import xlogy

DOMAIN_NUM = 10000
MARGIN = 1.0


def setup_inputs(seed: int = 0) -> dict:
    key = jax.random.key(seed)
    k1, k2 = jax.random.split(key)
    x = jax.random.normal(k1, (320000, 128), dtype=jnp.float32)
    D = jax.random.randint(k2, (320000,), 0, DOMAIN_NUM, dtype=jnp.int32)
    return {"input": x, "D": D}


def _scatter_mean(vals, idx, num_segments):
    s = jax.ops.segment_sum(vals, idx, num_segments=num_segments)
    c = jax.ops.segment_sum(jnp.ones((vals.shape[0],), vals.dtype), idx, num_segments=num_segments)
    return s / jnp.clip(c, 1.0)[:, None]


def _kl_batchmean(log_pred, target):
    # PyTorch KLDivLoss(reduction='batchmean'): sum(target*(log(target)-log_pred)) / batch
    pointwise = xlogy(target, target) - target * log_pred
    return jnp.sum(pointwise) / target.shape[0]


def reference(input, D):
    posi, nega = jnp.split(input, 2, axis=0)
    posi_D, nega_D = jnp.split(D, 2, axis=0)
    posi_anchor = jax.nn.softmax(_scatter_mean(posi, posi_D, DOMAIN_NUM), axis=-1)
    nega_anchor = jax.nn.softmax(_scatter_mean(nega, nega_D, DOMAIN_NUM), axis=-1)
    posi_anchor_mean = jnp.repeat(jnp.mean(posi_anchor, axis=0, keepdims=True), posi_anchor.shape[0], axis=0)
    nega_anchor_mean = jnp.repeat(jnp.mean(nega_anchor, axis=0, keepdims=True), nega_anchor.shape[0], axis=0)
    loss_d = jax.nn.relu(
        MARGIN
        + _kl_batchmean(jnp.log(posi_anchor), jax.lax.stop_gradient(posi_anchor_mean))
        + _kl_batchmean(jnp.log(nega_anchor), jax.lax.stop_gradient(nega_anchor_mean))
        - (_kl_batchmean(jnp.log(posi_anchor_mean), nega_anchor_mean)
           + _kl_batchmean(jnp.log(nega_anchor_mean), posi_anchor_mean)) / 2.0
    )
    return loss_d

if __name__ == "__main__":
    import jax
    _d = setup_inputs()
    print(jax.jit(kernel)(*tuple(_d.values())))

</pallas_src>

<mosaic_0001>
#map = affine_map<(d0, d1) -> (0, 0)>
module attributes {stable_mosaic.version = 14 : i64} {
  func.func @_sc_body(%arg0: i32, %arg1: i32, %arg2: memref<320000x128xf32, #tpu.memory_space<hbm>>, %arg3: memref<4000x80xi32, #tpu.memory_space<hbm>>, %arg4: memref<160x128xf32, #tpu.memory_space<hbm>>, %arg5: memref<20736x128xf32, #tpu.memory_space<hbm>>, %arg6: memref<160x128xf32, #tpu.memory_space<vmem>>, %arg7: memref<8x80xi32, #tpu.memory_space<vmem>>, %arg8: memref<10368x128xf32, #tpu.memory_space<vmem_shared>>) attributes {dimension_semantics = [#tpu.dimension_semantics<core_parallel>, #tpu.dimension_semantics<subcore_parallel>], iteration_bounds = array<i64: 2, 16>, scalar_prefetch = 0 : i64, scratch_operands = 3 : i64, tpu.core_type = #tpu.core_type<sc_vector_subcore>, window_params = [{transform_indices = #map}, {transform_indices = #map}, {transform_indices = #map}, {transform_indices = #map}]} {
    %mul3A = arith.constant 648 : i32
    %mul3A_0 = arith.muli %arg1, %mul3A : i32
    %multiple_of3A = tpu.assume_multiple %mul3A_0, 648 : i32
    "tpu.region"() ({
      %run_scoped3A = tpu.sem_alloc : memref<!tpu.dma_semaphore, #tpu.memory_space<semaphore_mem>>
      tpu.enqueue_dma source(%arg4 : memref<160x128xf32, #tpu.memory_space<hbm>>) target(%arg6 : memref<160x128xf32, #tpu.memory_space<vmem>>) target_semaphore(%run_scoped3A : memref<!tpu.dma_semaphore, #tpu.memory_space<semaphore_mem>>)
      tpu.wait_dma2 semaphore(%run_scoped3A : memref<!tpu.dma_semaphore, #tpu.memory_space<semaphore_mem>>) src(%arg4 : memref<160x128xf32, #tpu.memory_space<hbm>>) dst(%arg6 : memref<160x128xf32, #tpu.memory_space<vmem>>)
      tpu.yield
    }) : () -> ()
    %add3A = arith.constant 0 : i32
    %add3A_1 = arith.addi %multiple_of3A, %add3A : i32
    "tpu.region"() ({
      %run_scoped3A = tpu.sem_alloc : memref<!tpu.dma_semaphore, #tpu.memory_space<semaphore_mem>>
      %dma_start3A = arith.constant 0 : i32
      %dma_start3A_40 = tpu.memref_slice %arg8[%add3A_1, %dma_start3A] : memref<10368x128xf32, #tpu.memory_space<vmem_shared>> -> memref<160x128xf32, #tpu.memory_space<vmem_shared>>
      %dma_start3A_41 = arith.constant 0 : i32
      %dma_start3A_42 = tpu.memref_slice %arg8[%add3A_1, %dma_start3A_41] : memref<10368x128xf32, #tpu.memory_space<vmem_shared>> -> memref<160x128xf32, #tpu.memory_space<vmem_shared>>
      tpu.enqueue_dma source(%arg6 : memref<160x128xf32, #tpu.memory_space<vmem>>) target(%dma_start3A_42 : memref<160x128xf32, #tpu.memory_space<vmem_shared>>) target_semaphore(%run_scoped3A : memref<!tpu.dma_semaphore, #tpu.memory_space<semaphore_mem>>)
      %dma_wait3A = arith.constant 0 : i32
      %dma_wait3A_43 = tpu.memref_slice %arg8[%add3A_1, %dma_wait3A] : memref<10368x128xf32, #tpu.memory_space<vmem_shared>> -> memref<160x128xf32, #tpu.memory_space<vmem_shared>>
      %dma_wait3A_44 = arith.constant 0 : i32
      %dma_wait3A_45 = tpu.memref_slice %arg8[%add3A_1, %dma_wait3A_44] : memref<10368x128xf32, #tpu.memory_space<vmem_shared>> -> memref<160x128xf32, #tpu.memory_space<vmem_shared>>
      tpu.wait_dma2 semaphore(%run_scoped3A : memref<!tpu.dma_semaphore, #tpu.memory_space<semaphore_mem>>) src(%arg6 : memref<160x128xf32, #tpu.memory_space<vmem>>) dst(%dma_wait3A_45 : memref<160x128xf32, #tpu.memory_space<vmem_shared>>)
      tpu.yield
    }) : () -> ()
    %add3A_2 = arith.constant 160 : i32
    %add3A_3 = arith.addi %multiple_of3A, %add3A_2 : i32
    "tpu.region"() ({
      %run_scoped3A = tpu.sem_alloc : memref<!tpu.dma_semaphore, #tpu.memory_space<semaphore_mem>>
      %dma_start3A = arith.constant 0 : i32
      %dma_start3A_40 = tpu.memref_slice %arg8[%add3A_3, %dma_start3A] : memref<10368x128xf32, #tpu.memory_space<vmem_shared>> -> memref<160x128xf32, #tpu.memory_space<vmem_shared>>
      %dma_start3A_41 = arith.constant 0 : i32
      %dma_start3A_42 = tpu.memref_slice %arg8[%add3A_3, %dma_start3A_41] : memref<10368x128xf32, #tpu.memory_space<vmem_shared>> -> memref<160x128xf32, #tpu.memory_space<vmem_shared>>
      tpu.enqueue_dma source(%arg6 : memref<160x128xf32, #tpu.memory_space<vmem>>) target(%dma_start3A_42 : memref<160x128xf32, #tpu.memory_space<vmem_shared>>) target_semaphore(%run_scoped3A : memref<!tpu.dma_semaphore, #tpu.memory_space<semaphore_mem>>)
      %dma_wait3A = arith.constant 0 : i32
      %dma_wait3A_43 = tpu.memref_slice %arg8[%add3A_3, %dma_wait3A] : memref<10368x128xf32, #tpu.memory_space<vmem_shared>> -> memref<160x128xf32, #tpu.memory_space<vmem_shared>>
      %dma_wait3A_44 = arith.constant 0 : i32
      %dma_wait3A_45 = tpu.memref_slice %arg8[%add3A_3, %dma_wait3A_44] : memref<10368x128xf32, #tpu.memory_space<vmem_shared>> -> memref<160x128xf32, #tpu.memory_space<vmem_shared>>
      tpu.wait_dma2 semaphore(%run_scoped3A : memref<!tpu.dma_semaphore, #tpu.memory_space<semaphore_mem>>) src(%arg6 : memref<160x128xf32, #tpu.memory_space<vmem>>) dst(%dma_wait3A_45 : memref<160x128xf32, #tpu.memory_space<vmem_shared>>)
      tpu.yield
    }) : () -> ()
    %add3A_4 = arith.constant 320 : i32
    %add3A_5 = arith.addi %multiple_of3A, %add3A_4 : i32
    "tpu.region"() ({
      %run_scoped3A = tpu.sem_alloc : memref<!tpu.dma_semaphore, #tpu.memory_space<semaphore_mem>>
      %dma_start3A = arith.constant 0 : i32
      %dma_start3A_40 = tpu.memref_slice %arg8[%add3A_5, %dma_start3A] : memref<10368x128xf32, #tpu.memory_space<vmem_shared>> -> memref<160x128xf32, #tpu.memory_space<vmem_shared>>
      %dma_start3A_41 = arith.constant 0 : i32
      %dma_start3A_42 = tpu.memref_slice %arg8[%add3A_5, %dma_start3A_41] : memref<10368x128xf32, #tpu.memory_space<vmem_shared>> -> memref<160x128xf32, #tpu.memory_space<vmem_shared>>
      tpu.enqueue_dma source(%arg6 : memref<160x128xf32, #tpu.memory_space<vmem>>) target(%dma_start3A_42 : memref<160x128xf32, #tpu.memory_space<vmem_shared>>) target_semaphore(%run_scoped3A : memref<!tpu.dma_semaphore, #tpu.memory_space<semaphore_mem>>)
      %dma_wait3A = arith.constant 0 : i32
      %dma_wait3A_43 = tpu.memref_slice %arg8[%add3A_5, %dma_wait3A] : memref<10368x128xf32, #tpu.memory_space<vmem_shared>> -> memref<160x128xf32, #tpu.memory_space<vmem_shared>>
      %dma_wait3A_44 = arith.constant 0 : i32
      %dma_wait3A_45 = tpu.memref_slice %arg8[%add3A_5, %dma_wait3A_44] : memref<10368x128xf32, #tpu.memory_space<vmem_shared>> -> memref<160x128xf32, #tpu.memory_space<vmem_shared>>
      tpu.wait_dma2 semaphore(%run_scoped3A : memref<!tpu.dma_semaphore, #tpu.memory_space<semaphore_mem>>) src(%arg6 : memref<160x128xf32, #tpu.memory_space<vmem>>) dst(%dma_wait3A_45 : memref<160x128xf32, #tpu.memory_space<vmem_shared>>)
      tpu.yield
    }) : () -> ()
    %add3A_6 = arith.constant 480 : i32
    %add3A_7 = arith.addi %multiple_of3A, %add3A_6 : i32
    "tpu.region"() ({
      %run_scoped3A = tpu.sem_alloc : memref<!tpu.dma_semaphore, #tpu.memory_space<semaphore_mem>>
      %dma_start3A = arith.constant 0 : i32
      %dma_start3A_40 = tpu.memref_slice %arg8[%add3A_7, %dma_start3A] : memref<10368x128xf32, #tpu.memory_space<vmem_shared>> -> memref<160x128xf32, #tpu.memory_space<vmem_shared>>
      %dma_start3A_41 = arith.constant 0 : i32
      %dma_start3A_42 = tpu.memref_slice %arg8[%add3A_7, %dma_start3A_41] : memref<10368x128xf32, #tpu.memory_space<vmem_shared>> -> memref<160x128xf32, #tpu.memory_space<vmem_shared>>
      tpu.enqueue_dma source(%arg6 : memref<160x128xf32, #tpu.memory_space<vmem>>) target(%dma_start3A_42 : memref<160x128xf32, #tpu.memory_space<vmem_shared>>) target_semaphore(%run_scoped3A : memref<!tpu.dma_semaphore, #tpu.memory_space<semaphore_mem>>)
      %dma_wait3A = arith.constant 0 : i32
      %dma_wait3A_43 = tpu.memref_slice %arg8[%add3A_7, %dma_wait3A] : memref<10368x128xf32, #tpu.memory_space<vmem_shared>> -> memref<160x128xf32, #tpu.memory_space<vmem_shared>>
      %dma_wait3A_44 = arith.constant 0 : i32
      %dma_wait3A_45 = tpu.memref_slice %arg8[%add3A_7, %dma_wait3A_44] : memref<10368x128xf32, #tpu.memory_space<vmem_shared>> -> memref<160x128xf32, #tpu.memory_space<vmem_shared>>
      tpu.wait_dma2 semaphore(%run_scoped3A : memref<!tpu.dma_semaphore, #tpu.memory_space<semaphore_mem>>) src(%arg6 : memref<160x128xf32, #tpu.memory_space<vmem>>) dst(%dma_wait3A_45 : memref<160x128xf32, #tpu.memory_space<vmem_shared>>)
      tpu.yield
    }) : () -> ()
    %add3A_8 = arith.constant 640 : i32
    %add3A_9 = arith.addi %multiple_of3A, %add3A_8 : i32
    "tpu.region"() ({
      %run_scoped3A = tpu.sem_alloc : memref<!tpu.dma_semaphore, #tpu.memory_space<semaphore_mem>>
      %dma_start3A = arith.constant 0 : i32
      %dma_start3A_40 = arith.constant 0 : i32
      %dma_start3A_41 = tpu.memref_slice %arg6[%dma_start3A, %dma_start3A_40] : memref<160x128xf32, #tpu.memory_space<vmem>> -> memref<8x128xf32, #tpu.memory_space<vmem>>
      %dma_start3A_42 = arith.constant 0 : i32
      %dma_start3A_43 = tpu.memref_slice %arg8[%add3A_9, %dma_start3A_42] : memref<10368x128xf32, #tpu.memory_space<vmem_shared>> -> memref<8x128xf32, #tpu.memory_space<vmem_shared>>
      %dma_start3A_44 = arith.constant 0 : i32
      %dma_start3A_45 = tpu.memref_slice %arg8[%add3A_9, %dma_start3A_44] : memref<10368x128xf32, #tpu.memory_space<vmem_shared>> -> memref<8x128xf32, #tpu.memory_space<vmem_shared>>
      %dma_start3A_46 = arith.constant 0 : i32
      %dma_start3A_47 = arith.constant 0 : i32
      %dma_start3A_48 = tpu.memref_slice %arg6[%dma_start3A_46, %dma_start3A_47] : memref<160x128xf32, #tpu.memory_space<vmem>> -> memref<8x128xf32, #tpu.memory_space<vmem>>
      tpu.enqueue_dma source(%dma_start3A_48 : memref<8x128xf32, #tpu.memory_space<vmem>>) target(%dma_start3A_45 : memref<8x128xf32, #tpu.memory_space<vmem_shared>>) target_semaphore(%run_scoped3A : memref<!tpu.dma_semaphore, #tpu.memory_space<semaphore_mem>>)
      %dma_wait3A = arith.constant 0 : i32
      %dma_wait3A_49 = arith.constant 0 : i32
      %dma_wait3A_50 = tpu.memref_slice %arg6[%dma_wait3A, %dma_wait3A_49] : memref<160x128xf32, #tpu.memory_space<vmem>> -> memref<8x128xf32, #tpu.memory_space<vmem>>
      %dma_wait3A_51 = arith.constant 0 : i32
      %dma_wait3A_52 = tpu.memref_slice %arg8[%add3A_9, %dma_wait3A_51] : memref<10368x128xf32, #tpu.memory_space<vmem_shared>> -> memref<8x128xf32, #tpu.memory_space<vmem_shared>>
      %dma_wait3A_53 = arith.constant 0 : i32
      %dma_wait3A_54 = tpu.memref_slice %arg8[%add3A_9, %dma_wait3A_53] : memref<10368x128xf32, #tpu.memory_space<vmem_shared>> -> memref<8x128xf32, #tpu.memory_space<vmem_shared>>
      %dma_wait3A_55 = arith.constant 0 : i32
      %dma_wait3A_56 = arith.constant 0 : i32
      %dma_wait3A_57 = tpu.memref_slice %arg6[%dma_wait3A_55, %dma_wait3A_56] : memref<160x128xf32, #tpu.memory_space<vmem>> -> memref<8x128xf32, #tpu.memory_space<vmem>>
      tpu.wait_dma2 semaphore(%run_scoped3A : memref<!tpu.dma_semaphore, #tpu.memory_space<semaphore_mem>>) src(%dma_wait3A_57 : memref<8x128xf32, #tpu.memory_space<vmem>>) dst(%dma_wait3A_54 : memref<8x128xf32, #tpu.memory_space<vmem_shared>>)
      tpu.yield
    }) : () -> ()
    %barrier3A = arith.constant 0 : index
    tpu.barrier barrier_id(%barrier3A)
    %scan3A = arith.constant 0 : i32
    %scan3A_10 = arith.constant 0 : i32
    %scan3A_11 = arith.constant 16 : i32
    %scan3A_12 = arith.addi %scan3A_10, %scan3A_11 : i32
    %scan3A_13 = arith.constant 1 : i32
    scf.for %scan3A_40 = %scan3A_10 to %scan3A_12 step %scan3A_13  : i32 {
      %mul3A_41 = arith.constant 16 : i32
      %mul3A_42 = arith.muli %mul3A_41, %scan3A_40 : i32
      %add3A_43 = arith.addi %arg1, %mul3A_42 : i32
      %lt3A = arith.constant 250 : i32
      %lt3A_44 = arith.cmpi slt, %add3A_43, %lt3A : i32
      %convert_element_type3A = arith.extui %lt3A_44 : i1 to i32
      %cond3A = arith.constant 0 : i32
      %cond3A_45 = arith.cmpi ne, %convert_element_type3A, %cond3A : i32
      scf.if %cond3A_45 {
        %mul3A_46 = arith.constant 160000 : i32
        %mul3A_47 = arith.muli %arg0, %mul3A_46 : i32
        %mul3A_48 = arith.constant 640 : i32
        %mul3A_49 = arith.muli %add3A_43, %mul3A_48 : i32
        %add3A_50 = arith.addi %mul3A_47, %mul3A_49 : i32
        %multiple_of3A_51 = tpu.assume_multiple %add3A_50, 640 : i32
        %jit3A = arith.constant 80 : i32
        %div3A = arith.divsi %multiple_of3A_51, %jit3A : i32
        %sign3A = arith.constant 0 : i32
        %sign3A_52 = arith.cmpi sgt, %multiple_of3A_51, %sign3A : i32
        %sign3A_53 = arith.extui %sign3A_52 : i1 to i32
        %sign3A_54 = arith.constant 0 : i32
        %sign3A_55 = arith.cmpi slt, %multiple_of3A_51, %sign3A_54 : i32
        %sign3A_56 = arith.extui %sign3A_55 : i1 to i32
        %sign3A_57 = arith.subi %sign3A_53, %sign3A_56 : i32
        %sign3A_58 = arith.constant 0 : i32
        %sign3A_59 = arith.cmpi sgt, %jit3A, %sign3A_58 : i32
        %sign3A_60 = arith.extui %sign3A_59 : i1 to i32
        %sign3A_61 = arith.constant 0 : i32
        %sign3A_62 = arith.cmpi slt, %jit3A, %sign3A_61 : i32
        %sign3A_63 = arith.extui %sign3A_62 : i1 to i32
        %sign3A_64 = arith.subi %sign3A_60, %sign3A_63 : i32
        %ne3A = arith.cmpi ne, %sign3A_57, %sign3A_64 : i32
        %rem3A = arith.remsi %multiple_of3A_51, %jit3A : i32
        %ne3A_65 = arith.constant 0 : i32
        %ne3A_66 = arith.cmpi ne, %rem3A, %ne3A_65 : i32
        %and3A = arith.andi %ne3A, %ne3A_66 : i1
        %sub3A = arith.constant 1 : i32
        %sub3A_67 = arith.subi %div3A, %sub3A : i32
        %select_n3A = arith.select %and3A, %sub3A_67, %div3A : i32
        %multiple_of3A_68 = tpu.assume_multiple %select_n3A, 8 : i32
        "tpu.region"() ({
          %run_scoped3A_88 = tpu.sem_alloc : memref<!tpu.dma_semaphore, #tpu.memory_space<semaphore_mem>>
          %dma_start3A = arith.constant 0 : i32
          %dma_start3A_89 = tpu.memref_slice %arg3[%multiple_of3A_68, %dma_start3A] : memref<4000x80xi32, #tpu.memory_space<hbm>> -> memref<8x80xi32, #tpu.memory_space<hbm>>
          %dma_start3A_90 = arith.constant 0 : i32
          %dma_start3A_91 = tpu.memref_slice %arg3[%multiple_of3A_68, %dma_start3A_90] : memref<4000x80xi32, #tpu.memory_space<hbm>> -> memref<8x80xi32, #tpu.memory_space<hbm>>
          tpu.enqueue_dma source(%dma_start3A_91 : memref<8x80xi32, #tpu.memory_space<hbm>>) target(%arg7 : memref<8x80xi32, #tpu.memory_space<vmem>>) target_semaphore(%run_scoped3A_88 : memref<!tpu.dma_semaphore, #tpu.memory_space<semaphore_mem>>)
          %dma_wait3A = arith.constant 0 : i32
          %dma_wait3A_92 = tpu.memref_slice %arg3[%multiple_of3A_68, %dma_wait3A] : memref<4000x80xi32, #tpu.memory_space<hbm>> -> memref<8x80xi32, #tpu.memory_space<hbm>>
          %dma_wait3A_93 = arith.constant 0 : i32
          %dma_wait3A_94 = tpu.memref_slice %arg3[%multiple_of3A_68, %dma_wait3A_93] : memref<4000x80xi32, #tpu.memory_space<hbm>> -> memref<8x80xi32, #tpu.memory_space<hbm>>
          tpu.wait_dma2 semaphore(%run_scoped3A_88 : memref<!tpu.dma_semaphore, #tpu.memory_space<semaphore_mem>>) src(%dma_wait3A_94 : memref<8x80xi32, #tpu.memory_space<hbm>>) dst(%arg7 : memref<8x80xi32, #tpu.memory_space<vmem>>)
          tpu.yield
        }) : () -> ()
        %add3A_69 = arith.constant 0 : i32
        %add3A_70 = arith.addi %multiple_of3A_51, %add3A_69 : i32
        %multiple_of3A_71 = tpu.assume_multiple %add3A_70, 8 : i32
        "tpu.region"() ({
          %run_scoped3A_88 = tpu.sem_alloc : memref<!tpu.dma_semaphore, #tpu.memory_space<semaphore_mem>>
          %dma_start3A = arith.constant 0 : i32
          %dma_start3A_89 = tpu.memref_slice %arg2[%multiple_of3A_71, %dma_start3A] : memref<320000x128xf32, #tpu.memory_space<hbm>> -> memref<160x128xf32, #tpu.memory_space<hbm>>
          %dma_start3A_90 = arith.constant 0 : i32
          %dma_start3A_91 = tpu.memref_slice %arg2[%multiple_of3A_71, %dma_start3A_90] : memref<320000x128xf32, #tpu.memory_space<hbm>> -> memref<160x128xf32, #tpu.memory_space<hbm>>
          tpu.enqueue_dma source(%dma_start3A_91 : memref<160x128xf32, #tpu.memory_space<hbm>>) target(%arg6 : memref<160x128xf32, #tpu.memory_space<vmem>>) target_semaphore(%run_scoped3A_88 : memref<!tpu.dma_semaphore, #tpu.memory_space<semaphore_mem>>)
          %dma_wait3A = arith.constant 0 : i32
          %dma_wait3A_92 = tpu.memref_slice %arg2[%multiple_of3A_71, %dma_wait3A] : memref<320000x128xf32, #tpu.memory_space<hbm>> -> memref<160x128xf32, #tpu.memory_space<hbm>>
          %dma_wait3A_93 = arith.constant 0 : i32
          %dma_wait3A_94 = tpu.memref_slice %arg2[%multiple_of3A_71, %dma_wait3A_93] : memref<320000x128xf32, #tpu.memory_space<hbm>> -> memref<160x128xf32, #tpu.memory_space<hbm>>
          tpu.wait_dma2 semaphore(%run_scoped3A_88 : memref<!tpu.dma_semaphore, #tpu.memory_space<semaphore_mem>>) src(%dma_wait3A_94 : memref<160x128xf32, #tpu.memory_space<hbm>>) dst(%arg6 : memref<160x128xf32, #tpu.memory_space<vmem>>)
          tpu.yield
        }) : () -> ()
        %run_scoped3A = arith.constant 0 : i32
        "tpu.region"() ({
          %run_scoped3A_88 = tpu.sem_alloc : memref<!tpu.dma_semaphore, #tpu.memory_space<semaphore_mem>>
          %dma_start3A = arith.constant 0 : i32
          %dma_start3A_89 = arith.constant 0 : i32
          %dma_start3A_90 = tpu.memref_slice %arg6[%dma_start3A, %dma_start3A_89] : memref<160x128xf32, #tpu.memory_space<vmem>> -> memref<80x128xf32, #tpu.memory_space<vmem>>
          %dma_start3A_91 = arith.constant 0 : i32
          %dma_start3A_92 = tpu.memref_slice %arg7[%run_scoped3A, %dma_start3A_91] : memref<8x80xi32, #tpu.memory_space<vmem>> -> memref<1x80xi32, #tpu.memory_space<vmem>>
          %dma_start3A_93 = tpu.memref_squeeze %dma_start3A_92 : memref<1x80xi32, #tpu.memory_space<vmem>> -> memref<80xi32, #tpu.memory_space<vmem>>
          %dma_start3A_94 = arith.constant 0 : i32
          %dma_start3A_95 = arith.constant 0 : i32
          %dma_start3A_96 = tpu.memref_slice %arg8[%dma_start3A_94, %dma_start3A_95] : memref<10368x128xf32, #tpu.memory_space<vmem_shared>> -> memref<10368x128xf32, #tpu.memory_space<vmem_shared>>
          tpu.enqueue_indirect_dma source(%dma_start3A_90 : memref<80x128xf32, #tpu.memory_space<vmem>>) target(%dma_start3A_96 : memref<10368x128xf32, #tpu.memory_space<vmem_shared>>) offsets(%dma_start3A_93 : memref<80xi32, #tpu.memory_space<vmem>>) semaphore(%run_scoped3A_88 : memref<!tpu.dma_semaphore, #tpu.memory_space<semaphore_mem>>) {add = true}
          %dma_wait3A = arith.constant 0 : i32
          %dma_wait3A_97 = arith.constant 0 : i32
          %dma_wait3A_98 = tpu.memref_slice %arg6[%dma_wait3A, %dma_wait3A_97] : memref<160x128xf32, #tpu.memory_space<vmem>> -> memref<80x128xf32, #tpu.memory_space<vmem>>
          %dma_wait3A_99 = arith.constant 0 : i32
          %dma_wait3A_100 = tpu.memref_slice %arg7[%run_scoped3A, %dma_wait3A_99] : memref<8x80xi32, #tpu.memory_space<vmem>> -> memref<1x80xi32, #tpu.memory_space<vmem>>
          %dma_wait3A_101 = tpu.memref_squeeze %dma_wait3A_100 : memref<1x80xi32, #tpu.memory_space<vmem>> -> memref<80xi32, #tpu.memory_space<vmem>>
          %dma_wait3A_102 = arith.constant 0 : i32
          %dma_wait3A_103 = arith.constant 0 : i32
          %dma_wait3A_104 = tpu.memref_slice %arg8[%dma_wait3A_102, %dma_wait3A_103] : memref<10368x128xf32, #tpu.memory_space<vmem_shared>> -> memref<10368x128xf32, #tpu.memory_space<vmem_shared>>
          tpu.wait_indirect_dma semaphore(%run_scoped3A_88 : memref<!tpu.dma_semaphore, #tpu.memory_space<semaphore_mem>>) src(%dma_wait3A_98 : memref<80x128xf32, #tpu.memory_space<vmem>>) dst(%dma_wait3A_104 : memref<10368x128xf32, #tpu.memory_space<vmem_shared>>)
          tpu.yield
        }) : () -> ()
        %run_scoped3A_72 = arith.constant 1 : i32
        "tpu.region"() ({
          %run_scoped3A_88 = tpu.sem_alloc : memref<!tpu.dma_semaphore, #tpu.memory_space<semaphore_mem>>
          %dma_start3A = arith.constant 80 : i32
          %dma_start3A_89 = arith.constant 0 : i32
          %dma_start3A_90 = tpu.memref_slice %arg6[%dma_start3A, %dma_start3A_89] : memref<160x128xf32, #tpu.memory_space<vmem>> -> memref<80x128xf32, #tpu.memory_space<vmem>>
          %dma_start3A_91 = arith.constant 0 : i32
          %dma_start3A_92 = tpu.memref_slice %arg7[%run_scoped3A_72, %dma_start3A_91] : memref<8x80xi32, #tpu.memory_space<vmem>> -> memref<1x80xi32, #tpu.memory_space<vmem>>
          %dma_start3A_93 = tpu.memref_squeeze %dma_start3A_92 : memref<1x80xi32, #tpu.memory_space<vmem>> -> memref<80xi32, #tpu.memory_space<vmem>>
          %dma_start3A_94 = arith.constant 0 : i32
          %dma_start3A_95 = arith.constant 0 : i32
          %dma_start3A_96 = tpu.memref_slice %arg8[%dma_start3A_94, %dma_start3A_95] : memref<10368x128xf32, #tpu.memory_space<vmem_shared>> -> memref<10368x128xf32, #tpu.memory_space<vmem_shared>>
          tpu.enqueue_indirect_dma source(%dma_start3A_90 : memref<80x128xf32, #tpu.memory_space<vmem>>) target(%dma_start3A_96 : memref<10368x128xf32, #tpu.memory_space<vmem_shared>>) offsets(%dma_start3A_93 : memref<80xi32, #tpu.memory_space<vmem>>) semaphore(%run_scoped3A_88 : memref<!tpu.dma_semaphore, #tpu.memory_space<semaphore_mem>>) {add = true}
          %dma_wait3A = arith.constant 80 : i32
          %dma_wait3A_97 = arith.constant 0 : i32
          %dma_wait3A_98 = tpu.memref_slice %arg6[%dma_wait3A, %dma_wait3A_97] : memref<160x128xf32, #tpu.memory_space<vmem>> -> memref<80x128xf32, #tpu.memory_space<vmem>>
          %dma_wait3A_99 = arith.constant 0 : i32
          %dma_wait3A_100 = tpu.memref_slice %arg7[%run_scoped3A_72, %dma_wait3A_99] : memref<8x80xi32, #tpu.memory_space<vmem>> -> memref<1x80xi32, #tpu.memory_space<vmem>>
          %dma_wait3A_101 = tpu.memref_squeeze %dma_wait3A_100 : memref<1x80xi32, #tpu.memory_space<vmem>> -> memref<80xi32, #tpu.memory_space<vmem>>
          %dma_wait3A_102 = arith.constant 0 : i32
          %dma_wait3A_103 = arith.constant 0 : i32
          %dma_wait3A_104 = tpu.memref_slice %arg8[%dma_wait3A_102, %dma_wait3A_103] : memref<10368x128xf32, #tpu.memory_space<vmem_shared>> -> memref<10368x128xf32, #tpu.memory_space<vmem_shared>>
          tpu.wait_indirect_dma semaphore(%run_scoped3A_88 : memref<!tpu.dma_semaphore, #tpu.memory_space<semaphore_mem>>) src(%dma_wait3A_98 : memref<80x128xf32, #tpu.memory_space<vmem>>) dst(%dma_wait3A_104 : memref<10368x128xf32, #tpu.memory_space<vmem_shared>>)
          tpu.yield
        }) : () -> ()
        %add3A_73 = arith.constant 160 : i32
        %add3A_74 = arith.addi %multiple_of3A_51, %add3A_73 : i32
        %multiple_of3A_75 = tpu.assume_multiple %add3A_74, 8 : i32
        "tpu.region"() ({
          %run_scoped3A_88 = tpu.sem_alloc : memref<!tpu.dma_semaphore, #tpu.memory_space<semaphore_mem>>
          %dma_start3A = arith.constant 0 : i32
          %dma_start3A_89 = tpu.memref_slice %arg2[%multiple_of3A_75, %dma_start3A] : memref<320000x128xf32, #tpu.memory_space<hbm>> -> memref<160x128xf32, #tpu.memory_space<hbm>>
          %dma_start3A_90 = arith.constant 0 : i32
          %dma_start3A_91 = tpu.memref_slice %arg2[%multiple_of3A_75, %dma_start3A_90] : memref<320000x128xf32, #tpu.memory_space<hbm>> -> memref<160x128xf32, #tpu.memory_space<hbm>>
          tpu.enqueue_dma source(%dma_start3A_91 : memref<160x128xf32, #tpu.memory_space<hbm>>) target(%arg6 : memref<160x128xf32, #tpu.memory_space<vmem>>) target_semaphore(%run_scoped3A_88 : memref<!tpu.dma_semaphore, #tpu.memory_space<semaphore_mem>>)
          %dma_wait3A = arith.constant 0 : i32
          %dma_wait3A_92 = tpu.memref_slice %arg2[%multiple_of3A_75, %dma_wait3A] : memref<320000x128xf32, #tpu.memory_space<hbm>> -> memref<160x128xf32, #tpu.memory_space<hbm>>
          %dma_wait3A_93 = arith.constant 0 : i32
          %dma_wait3A_94 = tpu.memref_slice %arg2[%multiple_of3A_75, %dma_wait3A_93] : memref<320000x128xf32, #tpu.memory_space<hbm>> -> memref<160x128xf32, #tpu.memory_space<hbm>>
          tpu.wait_dma2 semaphore(%run_scoped3A_88 : memref<!tpu.dma_semaphore, #tpu.memory_space<semaphore_mem>>) src(%dma_wait3A_94 : memref<160x128xf32, #tpu.memory_space<hbm>>) dst(%arg6 : memref<160x128xf32, #tpu.memory_space<vmem>>)
          tpu.yield
        }) : () -> ()
        %run_scoped3A_76 = arith.constant 2 : i32
        "tpu.region"() ({
          %run_scoped3A_88 = tpu.sem_alloc : memref<!tpu.dma_semaphore, #tpu.memory_space<semaphore_mem>>
          %dma_start3A = arith.constant 0 : i32
          %dma_start3A_89 = arith.constant 0 : i32
          %dma_start3A_90 = tpu.memref_slice %arg6[%dma_start3A, %dma_start3A_89] : memref<160x128xf32, #tpu.memory_space<vmem>> -> memref<80x128xf32, #tpu.memory_space<vmem>>
          %dma_start3A_91 = arith.constant 0 : i32
          %dma_start3A_92 = tpu.memref_slice %arg7[%run_scoped3A_76, %dma_start3A_91] : memref<8x80xi32, #tpu.memory_space<vmem>> -> memref<1x80xi32, #tpu.memory_space<vmem>>
          %dma_start3A_93 = tpu.memref_squeeze %dma_start3A_92 : memref<1x80xi32, #tpu.memory_space<vmem>> -> memref<80xi32, #tpu.memory_space<vmem>>
          %dma_start3A_94 = arith.constant 0 : i32
          %dma_start3A_95 = arith.constant 0 : i32
          %dma_start3A_96 = tpu.memref_slice %arg8[%dma_start3A_94, %dma_start3A_95] : memref<10368x128xf32, #tpu.memory_space<vmem_shared>> -> memref<10368x128xf32, #tpu.memory_space<vmem_shared>>
          tpu.enqueue_indirect_dma source(%dma_start3A_90 : memref<80x128xf32, #tpu.memory_space<vmem>>) target(%dma_start3A_96 : memref<10368x128xf32, #tpu.memory_space<vmem_shared>>) offsets(%dma_start3A_93 : memref<80xi32, #tpu.memory_space<vmem>>) semaphore(%run_scoped3A_88 : memref<!tpu.dma_semaphore, #tpu.memory_space<semaphore_mem>>) {add = true}
          %dma_wait3A = arith.constant 0 : i32
          %dma_wait3A_97 = arith.constant 0 : i32
          %dma_wait3A_98 = tpu.memref_slice %arg6[%dma_wait3A, %dma_wait3A_97] : memref<160x128xf32, #tpu.memory_space<vmem>> -> memref<80x128xf32, #tpu.memory_space<vmem>>
          %dma_wait3A_99 = arith.constant 0 : i32
          %dma_wait3A_100 = tpu.memref_slice %arg7[%run_scoped3A_76, %dma_wait3A_99] : memref<8x80xi32, #tpu.memory_space<vmem>> -> memref<1x80xi32, #tpu.memory_space<vmem>>
          %dma_wait3A_101 = tpu.memref_squeeze %dma_wait3A_100 : memref<1x80xi32, #tpu.memory_space<vmem>> -> memref<80xi32, #tpu.memory_space<vmem>>
          %dma_wait3A_102 = arith.constant 0 : i32
          %dma_wait3A_103 = arith.constant 0 : i32
          %dma_wait3A_104 = tpu.memref_slice %arg8[%dma_wait3A_102, %dma_wait3A_103] : memref<10368x128xf32, #tpu.memory_space<vmem_shared>> -> memref<10368x128xf32, #tpu.memory_space<vmem_shared>>
          tpu.wait_indirect_dma semaphore(%run_scoped3A_88 : memref<!tpu.dma_semaphore, #tpu.memory_space<semaphore_mem>>) src(%dma_wait3A_98 : memref<80x128xf32, #tpu.memory_space<vmem>>) dst(%dma_wait3A_104 : memref<10368x128xf32, #tpu.memory_space<vmem_shared>>)
          tpu.yield
        }) : () -> ()
        %run_scoped3A_77 = arith.constant 3 : i32
        "tpu.region"() ({
          %run_scoped3A_88 = tpu.sem_alloc : memref<!tpu.dma_semaphore, #tpu.memory_space<semaphore_mem>>
          %dma_start3A = arith.constant 80 : i32
          %dma_start3A_89 = arith.constant 0 : i32
          %dma_start3A_90 = tpu.memref_slice %arg6[%dma_start3A, %dma_start3A_89] : memref<160x128xf32, #tpu.memory_space<vmem>> -> memref<80x128xf32, #tpu.memory_space<vmem>>
          %dma_start3A_91 = arith.constant 0 : i32
          %dma_start3A_92 = tpu.memref_slice %arg7[%run_scoped3A_77, %dma_start3A_91] : memref<8x80xi32, #tpu.memory_space<vmem>> -> memref<1x80xi32, #tpu.memory_space<vmem>>
          %dma_start3A_93 = tpu.memref_squeeze %dma_start3A_92 : memref<1x80xi32, #tpu.memory_space<vmem>> -> memref<80xi32, #tpu.memory_space<vmem>>
          %dma_start3A_94 = arith.constant 0 : i32
          %dma_start3A_95 = arith.constant 0 : i32
          %dma_start3A_96 = tpu.memref_slice %arg8[%dma_start3A_94, %dma_start3A_95] : memref<10368x128xf32, #tpu.memory_space<vmem_shared>> -> memref<10368x128xf32, #tpu.memory_space<vmem_shared>>
          tpu.enqueue_indirect_dma source(%dma_start3A_90 : memref<80x128xf32, #tpu.memory_space<vmem>>) target(%dma_start3A_96 : memref<10368x128xf32, #tpu.memory_space<vmem_shared>>) offsets(%dma_start3A_93 : memref<80xi32, #tpu.memory_space<vmem>>) semaphore(%run_scoped3A_88 : memref<!tpu.dma_semaphore, #tpu.memory_space<semaphore_mem>>) {add = true}
          %dma_wait3A = arith.constant 80 : i32
          %dma_wait3A_97 = arith.constant 0 : i32
          %dma_wait3A_98 = tpu.memref_slice %arg6[%dma_wait3A, %dma_wait3A_97] : memref<160x128xf32, #tpu.memory_space<vmem>> -> memref<80x128xf32, #tpu.memory_space<vmem>>
          %dma_wait3A_99 = arith.constant 0 : i32
          %dma_wait3A_100 = tpu.memref_slice %arg7[%run_scoped3A_77, %dma_wait3A_99] : memref<8x80xi32, #tpu.memory_space<vmem>> -> memref<1x80xi32, #tpu.memory_space<vmem>>
          %dma_wait3A_101 = tpu.memref_squeeze %dma_wait3A_100 : memref<1x80xi32, #tpu.memory_space<vmem>> -> memref<80xi32, #tpu.memory_space<vmem>>
          %dma_wait3A_102 = arith.constant 0 : i32
          %dma_wait3A_103 = arith.constant 0 : i32
          %dma_wait3A_104 = tpu.memref_slice %arg8[%dma_wait3A_102, %dma_wait3A_103] : memref<10368x128xf32, #tpu.memory_space<vmem_shared>> -> memref<10368x128xf32, #tpu.memory_space<vmem_shared>>
          tpu.wait_indirect_dma semaphore(%run_scoped3A_88 : memref<!tpu.dma_semaphore, #tpu.memory_space<semaphore_mem>>) src(%dma_wait3A_98 : memref<80x128xf32, #tpu.memory_space<vmem>>) dst(%dma_wait3A_104 : memref<10368x128xf32, #tpu.memory_space<vmem_shared>>)
          tpu.yield
        }) : () -> ()
        %add3A_78 = arith.constant 320 : i32
        %add3A_79 = arith.addi %multiple_of3A_51, %add3A_78 : i32
        %multiple_of3A_80 = tpu.assume_multiple %add3A_79, 8 : i32
        "tpu.region"() ({
          %run_scoped3A_88 = tpu.sem_alloc : memref<!tpu.dma_semaphore, #tpu.memory_space<semaphore_mem>>
          %dma_start3A = arith.constant 0 : i32
          %dma_start3A_89 = tpu.memref_slice %arg2[%multiple_of3A_80, %dma_start3A] : memref<320000x128xf32, #tpu.memory_space<hbm>> -> memref<160x128xf32, #tpu.memory_space<hbm>>
          %dma_start3A_90 = arith.constant 0 : i32
          %dma_start3A_91 = tpu.memref_slice %arg2[%multiple_of3A_80, %dma_start3A_90] : memref<320000x128xf32, #tpu.memory_space<hbm>> -> memref<160x128xf32, #tpu.memory_space<hbm>>
          tpu.enqueue_dma source(%dma_start3A_91 : memref<160x128xf32, #tpu.memory_space<hbm>>) target(%arg6 : memref<160x128xf32, #tpu.memory_space<vmem>>) target_semaphore(%run_scoped3A_88 : memref<!tpu.dma_semaphore, #tpu.memory_space<semaphore_mem>>)
          %dma_wait3A = arith.constant 0 : i32
          %dma_wait3A_92 = tpu.memref_slice %arg2[%multiple_of3A_80, %dma_wait3A] : memref<320000x128xf32, #tpu.memory_space<hbm>> -> memref<160x128xf32, #tpu.memory_space<hbm>>
          %dma_wait3A_93 = arith.constant 0 : i32
          %dma_wait3A_94 = tpu.memref_slice %arg2[%multiple_of3A_80, %dma_wait3A_93] : memref<320000x128xf32, #tpu.memory_space<hbm>> -> memref<160x128xf32, #tpu.memory_space<hbm>>
          tpu.wait_dma2 semaphore(%run_scoped3A_88 : memref<!tpu.dma_semaphore, #tpu.memory_space<semaphore_mem>>) src(%dma_wait3A_94 : memref<160x128xf32, #tpu.memory_space<hbm>>) dst(%arg6 : memref<160x128xf32, #tpu.memory_space<vmem>>)
          tpu.yield
        }) : () -> ()
        %run_scoped3A_81 = arith.constant 4 : i32
        "tpu.region"() ({
          %run_scoped3A_88 = tpu.sem_alloc : memref<!tpu.dma_semaphore, #tpu.memory_space<semaphore_mem>>
          %dma_start3A = arith.constant 0 : i32
          %dma_start3A_89 = arith.constant 0 : i32
          %dma_start3A_90 = tpu.memref_slice %arg6[%dma_start3A, %dma_start3A_89] : memref<160x128xf32, #tpu.memory_space<vmem>> -> memref<80x128xf32, #tpu.memory_space<vmem>>
          %dma_start3A_91 = arith.constant 0 : i32
          %dma_start3A_92 = tpu.memref_slice %arg7[%run_scoped3A_81, %dma_start3A_91] : memref<8x80xi32, #tpu.memory_space<vmem>> -> memref<1x80xi32, #tpu.memory_space<vmem>>
          %dma_start3A_93 = tpu.memref_squeeze %dma_start3A_92 : memref<1x80xi32, #tpu.memory_space<vmem>> -> memref<80xi32, #tpu.memory_space<vmem>>
          %dma_start3A_94 = arith.constant 0 : i32
          %dma_start3A_95 = arith.constant 0 : i32
          %dma_start3A_96 = tpu.memref_slice %arg8[%dma_start3A_94, %dma_start3A_95] : memref<10368x128xf32, #tpu.memory_space<vmem_shared>> -> memref<10368x128xf32, #tpu.memory_space<vmem_shared>>
          tpu.enqueue_indirect_dma source(%dma_start3A_90 : memref<80x128xf32, #tpu.memory_space<vmem>>) target(%dma_start3A_96 : memref<10368x128xf32, #tpu.memory_space<vmem_shared>>) offsets(%dma_start3A_93 : memref<80xi32, #tpu.memory_space<vmem>>) semaphore(%run_scoped3A_88 : memref<!tpu.dma_semaphore, #tpu.memory_space<semaphore_mem>>) {add = true}
          %dma_wait3A = arith.constant 0 : i32
          %dma_wait3A_97 = arith.constant 0 : i32
          %dma_wait3A_98 = tpu.memref_slice %arg6[%dma_wait3A, %dma_wait3A_97] : memref<160x128xf32, #tpu.memory_space<vmem>> -> memref<80x128xf32, #tpu.memory_space<vmem>>
          %dma_wait3A_99 = arith.constant 0 : i32
          %dma_wait3A_100 = tpu.memref_slice %arg7[%run_scoped3A_81, %dma_wait3A_99] : memref<8x80xi32, #tpu.memory_space<vmem>> -> memref<1x80xi32, #tpu.memory_space<vmem>>
          %dma_wait3A_101 = tpu.memref_squeeze %dma_wait3A_100 : memref<1x80xi32, #tpu.memory_space<vmem>> -> memref<80xi32, #tpu.memory_space<vmem>>
          %dma_wait3A_102 = arith.constant 0 : i32
          %dma_wait3A_103 = arith.constant 0 : i32
          %dma_wait3A_104 = tpu.memref_slice %arg8[%dma_wait3A_102, %dma_wait3A_103] : memref<10368x128xf32, #tpu.memory_space<vmem_shared>> -> memref<10368x128xf32, #tpu.memory_space<vmem_shared>>
          tpu.wait_indirect_dma semaphore(%run_scoped3A_88 : memref<!tpu.dma_semaphore, #tpu.memory_space<semaphore_mem>>) src(%dma_wait3A_98 : memref<80x128xf32, #tpu.memory_space<vmem>>) dst(%dma_wait3A_104 : memref<10368x128xf32, #tpu.memory_space<vmem_shared>>)
          tpu.yield
        }) : () -> ()
        %run_scoped3A_82 = arith.constant 5 : i32
        "tpu.region"() ({
          %run_scoped3A_88 = tpu.sem_alloc : memref<!tpu.dma_semaphore, #tpu.memory_space<semaphore_mem>>
          %dma_start3A = arith.constant 80 : i32
          %dma_start3A_89 = arith.constant 0 : i32
          %dma_start3A_90 = tpu.memref_slice %arg6[%dma_start3A, %dma_start3A_89] : memref<160x128xf32, #tpu.memory_space<vmem>> -> memref<80x128xf32, #tpu.memory_space<vmem>>
          %dma_start3A_91 = arith.constant 0 : i32
          %dma_start3A_92 = tpu.memref_slice %arg7[%run_scoped3A_82, %dma_start3A_91] : memref<8x80xi32, #tpu.memory_space<vmem>> -> memref<1x80xi32, #tpu.memory_space<vmem>>
          %dma_start3A_93 = tpu.memref_squeeze %dma_start3A_92 : memref<1x80xi32, #tpu.memory_space<vmem>> -> memref<80xi32, #tpu.memory_space<vmem>>
          %dma_start3A_94 = arith.constant 0 : i32
          %dma_start3A_95 = arith.constant 0 : i32
          %dma_start3A_96 = tpu.memref_slice %arg8[%dma_start3A_94, %dma_start3A_95] : memref<10368x128xf32, #tpu.memory_space<vmem_shared>> -> memref<10368x128xf32, #tpu.memory_space<vmem_shared>>
          tpu.enqueue_indirect_dma source(%dma_start3A_90 : memref<80x128xf32, #tpu.memory_space<vmem>>) target(%dma_start3A_96 : memref<10368x128xf32, #tpu.memory_space<vmem_shared>>) offsets(%dma_start3A_93 : memref<80xi32, #tpu.memory_space<vmem>>) semaphore(%run_scoped3A_88 : memref<!tpu.dma_semaphore, #tpu.memory_space<semaphore_mem>>) {add = true}
          %dma_wait3A = arith.constant 80 : i32
          %dma_wait3A_97 = arith.constant 0 : i32
          %dma_wait3A_98 = tpu.memref_slice %arg6[%dma_wait3A, %dma_wait3A_97] : memref<160x128xf32, #tpu.memory_space<vmem>> -> memref<80x128xf32, #tpu.memory_space<vmem>>
          %dma_wait3A_99 = arith.constant 0 : i32
          %dma_wait3A_100 = tpu.memref_slice %arg7[%run_scoped3A_82, %dma_wait3A_99] : memref<8x80xi32, #tpu.memory_space<vmem>> -> memref<1x80xi32, #tpu.memory_space<vmem>>
          %dma_wait3A_101 = tpu.memref_squeeze %dma_wait3A_100 : memref<1x80xi32, #tpu.memory_space<vmem>> -> memref<80xi32, #tpu.memory_space<vmem>>
          %dma_wait3A_102 = arith.constant 0 : i32
          %dma_wait3A_103 = arith.constant 0 : i32
          %dma_wait3A_104 = tpu.memref_slice %arg8[%dma_wait3A_102, %dma_wait3A_103] : memref<10368x128xf32, #tpu.memory_space<vmem_shared>> -> memref<10368x128xf32, #tpu.memory_space<vmem_shared>>
          tpu.wait_indirect_dma semaphore(%run_scoped3A_88 : memref<!tpu.dma_semaphore, #tpu.memory_space<semaphore_mem>>) src(%dma_wait3A_98 : memref<80x128xf32, #tpu.memory_space<vmem>>) dst(%dma_wait3A_104 : memref<10368x128xf32, #tpu.memory_space<vmem_shared>>)
          tpu.yield
        }) : () -> ()
        %add3A_83 = arith.constant 480 : i32
        %add3A_84 = arith.addi %multiple_of3A_51, %add3A_83 : i32
        %multiple_of3A_85 = tpu.assume_multiple %add3A_84, 8 : i32
        "tpu.region"() ({
          %run_scoped3A_88 = tpu.sem_alloc : memref<!tpu.dma_semaphore, #tpu.memory_space<semaphore_mem>>
          %dma_start3A = arith.constant 0 : i32
          %dma_start3A_89 = tpu.memref_slice %arg2[%multiple_of3A_85, %dma_start3A] : memref<320000x128xf32, #tpu.memory_space<hbm>> -> memref<160x128xf32, #tpu.memory_space<hbm>>
          %dma_start3A_90 = arith.constant 0 : i32
          %dma_start3A_91 = tpu.memref_slice %arg2[%multiple_of3A_85, %dma_start3A_90] : memref<320000x128xf32, #tpu.memory_space<hbm>> -> memref<160x128xf32, #tpu.memory_space<hbm>>
          tpu.enqueue_dma source(%dma_start3A_91 : memref<160x128xf32, #tpu.memory_space<hbm>>) target(%arg6 : memref<160x128xf32, #tpu.memory_space<vmem>>) target_semaphore(%run_scoped3A_88 : memref<!tpu.dma_semaphore, #tpu.memory_space<semaphore_mem>>)
          %dma_wait3A = arith.constant 0 : i32
          %dma_wait3A_92 = tpu.memref_slice %arg2[%multiple_of3A_85, %dma_wait3A] : memref<320000x128xf32, #tpu.memory_space<hbm>> -> memref<160x128xf32, #tpu.memory_space<hbm>>
          %dma_wait3A_93 = arith.constant 0 : i32
          %dma_wait3A_94 = tpu.memref_slice %arg2[%multiple_of3A_85, %dma_wait3A_93] : memref<320000x128xf32, #tpu.memory_space<hbm>> -> memref<160x128xf32, #tpu.memory_space<hbm>>
          tpu.wait_dma2 semaphore(%run_scoped3A_88 : memref<!tpu.dma_semaphore, #tpu.memory_space<semaphore_mem>>) src(%dma_wait3A_94 : memref<160x128xf32, #tpu.memory_space<hbm>>) dst(%arg6 : memref<160x128xf32, #tpu.memory_space<vmem>>)
          tpu.yield
        }) : () -> ()
        %run_scoped3A_86 = arith.constant 6 : i32
        "tpu.region"() ({
          %run_scoped3A_88 = tpu.sem_alloc : memref<!tpu.dma_semaphore, #tpu.memory_space<semaphore_mem>>
          %dma_start3A = arith.constant 0 : i32
          %dma_start3A_89 = arith.constant 0 : i32
          %dma_start3A_90 = tpu.memref_slice %arg6[%dma_start3A, %dma_start3A_89] : memref<160x128xf32, #tpu.memory_space<vmem>> -> memref<80x128xf32, #tpu.memory_space<vmem>>
          %dma_start3A_91 = arith.constant 0 : i32
          %dma_start3A_92 = tpu.memref_slice %arg7[%run_scoped3A_86, %dma_start3A_91] : memref<8x80xi32, #tpu.memory_space<vmem>> -> memref<1x80xi32, #tpu.memory_space<vmem>>
          %dma_start3A_93 = tpu.memref_squeeze %dma_start3A_92 : memref<1x80xi32, #tpu.memory_space<vmem>> -> memref<80xi32, #tpu.memory_space<vmem>>
          %dma_start3A_94 = arith.constant 0 : i32
          %dma_start3A_95 = arith.constant 0 : i32
          %dma_start3A_96 = tpu.memref_slice %arg8[%dma_start3A_94, %dma_start3A_95] : memref<10368x128xf32, #tpu.memory_space<vmem_shared>> -> memref<10368x128xf32, #tpu.memory_space<vmem_shared>>
          tpu.enqueue_indirect_dma source(%dma_start3A_90 : memref<80x128xf32, #tpu.memory_space<vmem>>) target(%dma_start3A_96 : memref<10368x128xf32, #tpu.memory_space<vmem_shared>>) offsets(%dma_start3A_93 : memref<80xi32, #tpu.memory_space<vmem>>) semaphore(%run_scoped3A_88 : memref<!tpu.dma_semaphore, #tpu.memory_space<semaphore_mem>>) {add = true}
          %dma_wait3A = arith.constant 0 : i32
          %dma_wait3A_97 = arith.constant 0 : i32
          %dma_wait3A_98 = tpu.memref_slice %arg6[%dma_wait3A, %dma_wait3A_97] : memref<160x128xf32, #tpu.memory_space<vmem>> -> memref<80x128xf32, #tpu.memory_space<vmem>>
          %dma_wait3A_99 = arith.constant 0 : i32
          %dma_wait3A_100 = tpu.memref_slice %arg7[%run_scoped3A_86, %dma_wait3A_99] : memref<8x80xi32, #tpu.memory_space<vmem>> -> memref<1x80xi32, #tpu.memory_space<vmem>>
          %dma_wait3A_101 = tpu.memref_squeeze %dma_wait3A_100 : memref<1x80xi32, #tpu.memory_space<vmem>> -> memref<80xi32, #tpu.memory_space<vmem>>
          %dma_wait3A_102 = arith.constant 0 : i32
          %dma_wait3A_103 = arith.constant 0 : i32
          %dma_wait3A_104 = tpu.memref_slice %arg8[%dma_wait3A_102, %dma_wait3A_103] : memref<10368x128xf32, #tpu.memory_space<vmem_shared>> -> memref<10368x128xf32, #tpu.memory_space<vmem_shared>>
          tpu.wait_indirect_dma semaphore(%run_scoped3A_88 : memref<!tpu.dma_semaphore, #tpu.memory_space<semaphore_mem>>) src(%dma_wait3A_98 : memref<80x128xf32, #tpu.memory_space<vmem>>) dst(%dma_wait3A_104 : memref<10368x128xf32, #tpu.memory_space<vmem_shared>>)
          tpu.yield
        }) : () -> ()
        %run_scoped3A_87 = arith.constant 7 : i32
        "tpu.region"() ({
          %run_scoped3A_88 = tpu.sem_alloc : memref<!tpu.dma_semaphore, #tpu.memory_space<semaphore_mem>>
          %dma_start3A = arith.constant 80 : i32
          %dma_start3A_89 = arith.constant 0 : i32
          %dma_start3A_90 = tpu.memref_slice %arg6[%dma_start3A, %dma_start3A_89] : memref<160x128xf32, #tpu.memory_space<vmem>> -> memref<80x128xf32, #tpu.memory_space<vmem>>
          %dma_start3A_91 = arith.constant 0 : i32
          %dma_start3A_92 = tpu.memref_slice %arg7[%run_scoped3A_87, %dma_start3A_91] : memref<8x80xi32, #tpu.memory_space<vmem>> -> memref<1x80xi32, #tpu.memory_space<vmem>>
          %dma_start3A_93 = tpu.memref_squeeze %dma_start3A_92 : memref<1x80xi32, #tpu.memory_space<vmem>> -> memref<80xi32, #tpu.memory_space<vmem>>
          %dma_start3A_94 = arith.constant 0 : i32
          %dma_start3A_95 = arith.constant 0 : i32
          %dma_start3A_96 = tpu.memref_slice %arg8[%dma_start3A_94, %dma_start3A_95] : memref<10368x128xf32, #tpu.memory_space<vmem_shared>> -> memref<10368x128xf32, #tpu.memory_space<vmem_shared>>
          tpu.enqueue_indirect_dma source(%dma_start3A_90 : memref<80x128xf32, #tpu.memory_space<vmem>>) target(%dma_start3A_96 : memref<10368x128xf32, #tpu.memory_space<vmem_shared>>) offsets(%dma_start3A_93 : memref<80xi32, #tpu.memory_space<vmem>>) semaphore(%run_scoped3A_88 : memref<!tpu.dma_semaphore, #tpu.memory_space<semaphore_mem>>) {add = true}
          %dma_wait3A = arith.constant 80 : i32
          %dma_wait3A_97 = arith.constant 0 : i32
          %dma_wait3A_98 = tpu.memref_slice %arg6[%dma_wait3A, %dma_wait3A_97] : memref<160x128xf32, #tpu.memory_space<vmem>> -> memref<80x128xf32, #tpu.memory_space<vmem>>
          %dma_wait3A_99 = arith.constant 0 : i32
          %dma_wait3A_100 = tpu.memref_slice %arg7[%run_scoped3A_87, %dma_wait3A_99] : memref<8x80xi32, #tpu.memory_space<vmem>> -> memref<1x80xi32, #tpu.memory_space<vmem>>
          %dma_wait3A_101 = tpu.memref_squeeze %dma_wait3A_100 : memref<1x80xi32, #tpu.memory_space<vmem>> -> memref<80xi32, #tpu.memory_space<vmem>>
          %dma_wait3A_102 = arith.constant 0 : i32
          %dma_wait3A_103 = arith.constant 0 : i32
          %dma_wait3A_104 = tpu.memref_slice %arg8[%dma_wait3A_102, %dma_wait3A_103] : memref<10368x128xf32, #tpu.memory_space<vmem_shared>> -> memref<10368x128xf32, #tpu.memory_space<vmem_shared>>
          tpu.wait_indirect_dma semaphore(%run_scoped3A_88 : memref<!tpu.dma_semaphore, #tpu.memory_space<semaphore_mem>>) src(%dma_wait3A_98 : memref<80x128xf32, #tpu.memory_space<vmem>>) dst(%dma_wait3A_104 : memref<10368x128xf32, #tpu.memory_space<vmem_shared>>)
          tpu.yield
        }) : () -> ()
      } else {
      }
    }
    %scan3A_14 = arith.constant 16 : i32
    %barrier3A_15 = arith.constant 0 : index
    tpu.barrier barrier_id(%barrier3A_15)
    %mul3A_16 = arith.constant 10368 : i32
    %mul3A_17 = arith.muli %arg0, %mul3A_16 : i32
    %add3A_18 = arith.addi %mul3A_17, %multiple_of3A : i32
    %multiple_of3A_19 = tpu.assume_multiple %add3A_18, 648 : i32
    %add3A_20 = arith.constant 0 : i32
    %add3A_21 = arith.addi %multiple_of3A, %add3A_20 : i32
    "tpu.region"() ({
      %run_scoped3A = tpu.sem_alloc : memref<!tpu.dma_semaphore, #tpu.memory_space<semaphore_mem>>
      %dma_start3A = arith.constant 0 : i32
      %dma_start3A_40 = tpu.memref_slice %arg8[%add3A_21, %dma_start3A] : memref<10368x128xf32, #tpu.memory_space<vmem_shared>> -> memref<160x128xf32, #tpu.memory_space<vmem_shared>>
      %dma_start3A_41 = arith.constant 0 : i32
      %dma_start3A_42 = tpu.memref_slice %arg8[%add3A_21, %dma_start3A_41] : memref<10368x128xf32, #tpu.memory_space<vmem_shared>> -> memref<160x128xf32, #tpu.memory_space<vmem_shared>>
      tpu.enqueue_dma source(%dma_start3A_42 : memref<160x128xf32, #tpu.memory_space<vmem_shared>>) target(%arg6 : memref<160x128xf32, #tpu.memory_space<vmem>>) target_semaphore(%run_scoped3A : memref<!tpu.dma_semaphore, #tpu.memory_space<semaphore_mem>>)
      %dma_wait3A = arith.constant 0 : i32
      %dma_wait3A_43 = tpu.memref_slice %arg8[%add3A_21, %dma_wait3A] : memref<10368x128xf32, #tpu.memory_space<vmem_shared>> -> memref<160x128xf32, #tpu.memory_space<vmem_shared>>
      %dma_wait3A_44 = arith.constant 0 : i32
      %dma_wait3A_45 = tpu.memref_slice %arg8[%add3A_21, %dma_wait3A_44] : memref<10368x128xf32, #tpu.memory_space<vmem_shared>> -> memref<160x128xf32, #tpu.memory_space<vmem_shared>>
      tpu.wait_dma2 semaphore(%run_scoped3A : memref<!tpu.dma_semaphore, #tpu.memory_space<semaphore_mem>>) src(%dma_wait3A_45 : memref<160x128xf32, #tpu.memory_space<vmem_shared>>) dst(%arg6 : memref<160x128xf32, #tpu.memory_space<vmem>>)
      tpu.yield
    }) : () -> ()
    %add3A_22 = arith.constant 0 : i32
    %add3A_23 = arith.addi %multiple_of3A_19, %add3A_22 : i32
    "tpu.region"() ({
      %run_scoped3A = tpu.sem_alloc : memref<!tpu.dma_semaphore, #tpu.memory_space<semaphore_mem>>
      %dma_start3A = arith.constant 0 : i32
      %dma_start3A_40 = tpu.memref_slice %arg5[%add3A_23, %dma_start3A] : memref<20736x128xf32, #tpu.memory_space<hbm>> -> memref<160x128xf32, #tpu.memory_space<hbm>>
      %dma_start3A_41 = arith.constant 0 : i32
      %dma_start3A_42 = tpu.memref_slice %arg5[%add3A_23, %dma_start3A_41] : memref<20736x128xf32, #tpu.memory_space<hbm>> -> memref<160x128xf32, #tpu.memory_space<hbm>>
      tpu.enqueue_dma source(%arg6 : memref<160x128xf32, #tpu.memory_space<vmem>>) target(%dma_start3A_42 : memref<160x128xf32, #tpu.memory_space<hbm>>) target_semaphore(%run_scoped3A : memref<!tpu.dma_semaphore, #tpu.memory_space<semaphore_mem>>)
      %dma_wait3A = arith.constant 0 : i32
      %dma_wait3A_43 = tpu.memref_slice %arg5[%add3A_23, %dma_wait3A] : memref<20736x128xf32, #tpu.memory_space<hbm>> -> memref<160x128xf32, #tpu.memory_space<hbm>>
      %dma_wait3A_44 = arith.constant 0 : i32
      %dma_wait3A_45 = tpu.memref_slice %arg5[%add3A_23, %dma_wait3A_44] : memref<20736x128xf32, #tpu.memory_space<hbm>> -> memref<160x128xf32, #tpu.memory_space<hbm>>
      tpu.wait_dma2 semaphore(%run_scoped3A : memref<!tpu.dma_semaphore, #tpu.memory_space<semaphore_mem>>) src(%arg6 : memref<160x128xf32, #tpu.memory_space<vmem>>) dst(%dma_wait3A_45 : memref<160x128xf32, #tpu.memory_space<hbm>>)
      tpu.yield
    }) : () -> ()
    %add3A_24 = arith.constant 160 : i32
    %add3A_25 = arith.addi %multiple_of3A, %add3A_24 : i32
    "tpu.region"() ({
      %run_scoped3A = tpu.sem_alloc : memref<!tpu.dma_semaphore, #tpu.memory_space<semaphore_mem>>
      %dma_start3A = arith.constant 0 : i32
      %dma_start3A_40 = tpu.memref_slice %arg8[%add3A_25, %dma_start3A] : memref<10368x128xf32, #tpu.memory_space<vmem_shared>> -> memref<160x128xf32, #tpu.memory_space<vmem_shared>>
      %dma_start3A_41 = arith.constant 0 : i32
      %dma_start3A_42 = tpu.memref_slice %arg8[%add3A_25, %dma_start3A_41] : memref<10368x128xf32, #tpu.memory_space<vmem_shared>> -> memref<160x128xf32, #tpu.memory_space<vmem_shared>>
      tpu.enqueue_dma source(%dma_start3A_42 : memref<160x128xf32, #tpu.memory_space<vmem_shared>>) target(%arg6 : memref<160x128xf32, #tpu.memory_space<vmem>>) target_semaphore(%run_scoped3A : memref<!tpu.dma_semaphore, #tpu.memory_space<semaphore_mem>>)
      %dma_wait3A = arith.constant 0 : i32
      %dma_wait3A_43 = tpu.memref_slice %arg8[%add3A_25, %dma_wait3A] : memref<10368x128xf32, #tpu.memory_space<vmem_shared>> -> memref<160x128xf32, #tpu.memory_space<vmem_shared>>
      %dma_wait3A_44 = arith.constant 0 : i32
      %dma_wait3A_45 = tpu.memref_slice %arg8[%add3A_25, %dma_wait3A_44] : memref<10368x128xf32, #tpu.memory_space<vmem_shared>> -> memref<160x128xf32, #tpu.memory_space<vmem_shared>>
      tpu.wait_dma2 semaphore(%run_scoped3A : memref<!tpu.dma_semaphore, #tpu.memory_space<semaphore_mem>>) src(%dma_wait3A_45 : memref<160x128xf32, #tpu.memory_space<vmem_shared>>) dst(%arg6 : memref<160x128xf32, #tpu.memory_space<vmem>>)
      tpu.yield
    }) : () -> ()
    %add3A_26 = arith.constant 160 : i32
    %add3A_27 = arith.addi %multiple_of3A_19, %add3A_26 : i32
    "tpu.region"() ({
      %run_scoped3A = tpu.sem_alloc : memref<!tpu.dma_semaphore, #tpu.memory_space<semaphore_mem>>
      %dma_start3A = arith.constant 0 : i32
      %dma_start3A_40 = tpu.memref_slice %arg5[%add3A_27, %dma_start3A] : memref<20736x128xf32, #tpu.memory_space<hbm>> -> memref<160x128xf32, #tpu.memory_space<hbm>>
      %dma_start3A_41 = arith.constant 0 : i32
      %dma_start3A_42 = tpu.memref_slice %arg5[%add3A_27, %dma_start3A_41] : memref<20736x128xf32, #tpu.memory_space<hbm>> -> memref<160x128xf32, #tpu.memory_space<hbm>>
      tpu.enqueue_dma source(%arg6 : memref<160x128xf32, #tpu.memory_space<vmem>>) target(%dma_start3A_42 : memref<160x128xf32, #tpu.memory_space<hbm>>) target_semaphore(%run_scoped3A : memref<!tpu.dma_semaphore, #tpu.memory_space<semaphore_mem>>)
      %dma_wait3A = arith.constant 0 : i32
      %dma_wait3A_43 = tpu.memref_slice %arg5[%add3A_27, %dma_wait3A] : memref<20736x128xf32, #tpu.memory_space<hbm>> -> memref<160x128xf32, #tpu.memory_space<hbm>>
      %dma_wait3A_44 = arith.constant 0 : i32
      %dma_wait3A_45 = tpu.memref_slice %arg5[%add3A_27, %dma_wait3A_44] : memref<20736x128xf32, #tpu.memory_space<hbm>> -> memref<160x128xf32, #tpu.memory_space<hbm>>
      tpu.wait_dma2 semaphore(%run_scoped3A : memref<!tpu.dma_semaphore, #tpu.memory_space<semaphore_mem>>) src(%arg6 : memref<160x128xf32, #tpu.memory_space<vmem>>) dst(%dma_wait3A_45 : memref<160x128xf32, #tpu.memory_space<hbm>>)
      tpu.yield
    }) : () -> ()
    %add3A_28 = arith.constant 320 : i32
    %add3A_29 = arith.addi %multiple_of3A, %add3A_28 : i32
    "tpu.region"() ({
      %run_scoped3A = tpu.sem_alloc : memref<!tpu.dma_semaphore, #tpu.memory_space<semaphore_mem>>
      %dma_start3A = arith.constant 0 : i32
      %dma_start3A_40 = tpu.memref_slice %arg8[%add3A_29, %dma_start3A] : memref<10368x128xf32, #tpu.memory_space<vmem_shared>> -> memref<160x128xf32, #tpu.memory_space<vmem_shared>>
      %dma_start3A_41 = arith.constant 0 : i32
      %dma_start3A_42 = tpu.memref_slice %arg8[%add3A_29, %dma_start3A_41] : memref<10368x128xf32, #tpu.memory_space<vmem_shared>> -> memref<160x128xf32, #tpu.memory_space<vmem_shared>>
      tpu.enqueue_dma source(%dma_start3A_42 : memref<160x128xf32, #tpu.memory_space<vmem_shared>>) target(%arg6 : memref<160x128xf32, #tpu.memory_space<vmem>>) target_semaphore(%run_scoped3A : memref<!tpu.dma_semaphore, #tpu.memory_space<semaphore_mem>>)
      %dma_wait3A = arith.constant 0 : i32
      %dma_wait3A_43 = tpu.memref_slice %arg8[%add3A_29, %dma_wait3A] : memref<10368x128xf32, #tpu.memory_space<vmem_shared>> -> memref<160x128xf32, #tpu.memory_space<vmem_shared>>
      %dma_wait3A_44 = arith.constant 0 : i32
      %dma_wait3A_45 = tpu.memref_slice %arg8[%add3A_29, %dma_wait3A_44] : memref<10368x128xf32, #tpu.memory_space<vmem_shared>> -> memref<160x128xf32, #tpu.memory_space<vmem_shared>>
      tpu.wait_dma2 semaphore(%run_scoped3A : memref<!tpu.dma_semaphore, #tpu.memory_space<semaphore_mem>>) src(%dma_wait3A_45 : memref<160x128xf32, #tpu.memory_space<vmem_shared>>) dst(%arg6 : memref<160x128xf32, #tpu.memory_space<vmem>>)
      tpu.yield
    }) : () -> ()
    %add3A_30 = arith.constant 320 : i32
    %add3A_31 = arith.addi %multiple_of3A_19, %add3A_30 : i32
    "tpu.region"() ({
      %run_scoped3A = tpu.sem_alloc : memref<!tpu.dma_semaphore, #tpu.memory_space<semaphore_mem>>
      %dma_start3A = arith.constant 0 : i32
      %dma_start3A_40 = tpu.memref_slice %arg5[%add3A_31, %dma_start3A] : memref<20736x128xf32, #tpu.memory_space<hbm>> -> memref<160x128xf32, #tpu.memory_space<hbm>>
      %dma_start3A_41 = arith.constant 0 : i32
      %dma_start3A_42 = tpu.memref_slice %arg5[%add3A_31, %dma_start3A_41] : memref<20736x128xf32, #tpu.memory_space<hbm>> -> memref<160x128xf32, #tpu.memory_space<hbm>>
      tpu.enqueue_dma source(%arg6 : memref<160x128xf32, #tpu.memory_space<vmem>>) target(%dma_start3A_42 : memref<160x128xf32, #tpu.memory_space<hbm>>) target_semaphore(%run_scoped3A : memref<!tpu.dma_semaphore, #tpu.memory_space<semaphore_mem>>)
      %dma_wait3A = arith.constant 0 : i32
      %dma_wait3A_43 = tpu.memref_slice %arg5[%add3A_31, %dma_wait3A] : memref<20736x128xf32, #tpu.memory_space<hbm>> -> memref<160x128xf32, #tpu.memory_space<hbm>>
      %dma_wait3A_44 = arith.constant 0 : i32
      %dma_wait3A_45 = tpu.memref_slice %arg5[%add3A_31, %dma_wait3A_44] : memref<20736x128xf32, #tpu.memory_space<hbm>> -> memref<160x128xf32, #tpu.memory_space<hbm>>
      tpu.wait_dma2 semaphore(%run_scoped3A : memref<!tpu.dma_semaphore, #tpu.memory_space<semaphore_mem>>) src(%arg6 : memref<160x128xf32, #tpu.memory_space<vmem>>) dst(%dma_wait3A_45 : memref<160x128xf32, #tpu.memory_space<hbm>>)
      tpu.yield
    }) : () -> ()
    %add3A_32 = arith.constant 480 : i32
    %add3A_33 = arith.addi %multiple_of3A, %add3A_32 : i32
    "tpu.region"() ({
      %run_scoped3A = tpu.sem_alloc : memref<!tpu.dma_semaphore, #tpu.memory_space<semaphore_mem>>
      %dma_start3A = arith.constant 0 : i32
      %dma_start3A_40 = tpu.memref_slice %arg8[%add3A_33, %dma_start3A] : memref<10368x128xf32, #tpu.memory_space<vmem_shared>> -> memref<160x128xf32, #tpu.memory_space<vmem_shared>>
      %dma_start3A_41 = arith.constant 0 : i32
      %dma_start3A_42 = tpu.memref_slice %arg8[%add3A_33, %dma_start3A_41] : memref<10368x128xf32, #tpu.memory_space<vmem_shared>> -> memref<160x128xf32, #tpu.memory_space<vmem_shared>>
      tpu.enqueue_dma source(%dma_start3A_42 : memref<160x128xf32, #tpu.memory_space<vmem_shared>>) target(%arg6 : memref<160x128xf32, #tpu.memory_space<vmem>>) target_semaphore(%run_scoped3A : memref<!tpu.dma_semaphore, #tpu.memory_space<semaphore_mem>>)
      %dma_wait3A = arith.constant 0 : i32
      %dma_wait3A_43 = tpu.memref_slice %arg8[%add3A_33, %dma_wait3A] : memref<10368x128xf32, #tpu.memory_space<vmem_shared>> -> memref<160x128xf32, #tpu.memory_space<vmem_shared>>
      %dma_wait3A_44 = arith.constant 0 : i32
      %dma_wait3A_45 = tpu.memref_slice %arg8[%add3A_33, %dma_wait3A_44] : memref<10368x128xf32, #tpu.memory_space<vmem_shared>> -> memref<160x128xf32, #tpu.memory_space<vmem_shared>>
      tpu.wait_dma2 semaphore(%run_scoped3A : memref<!tpu.dma_semaphore, #tpu.memory_space<semaphore_mem>>) src(%dma_wait3A_45 : memref<160x128xf32, #tpu.memory_space<vmem_shared>>) dst(%arg6 : memref<160x128xf32, #tpu.memory_space<vmem>>)
      tpu.yield
    }) : () -> ()
    %add3A_34 = arith.constant 480 : i32
    %add3A_35 = arith.addi %multiple_of3A_19, %add3A_34 : i32
    "tpu.region"() ({
      %run_scoped3A = tpu.sem_alloc : memref<!tpu.dma_semaphore, #tpu.memory_space<semaphore_mem>>
      %dma_start3A = arith.constant 0 : i32
      %dma_start3A_40 = tpu.memref_slice %arg5[%add3A_35, %dma_start3A] : memref<20736x128xf32, #tpu.memory_space<hbm>> -> memref<160x128xf32, #tpu.memory_space<hbm>>
      %dma_start3A_41 = arith.constant 0 : i32
      %dma_start3A_42 = tpu.memref_slice %arg5[%add3A_35, %dma_start3A_41] : memref<20736x128xf32, #tpu.memory_space<hbm>> -> memref<160x128xf32, #tpu.memory_space<hbm>>
      tpu.enqueue_dma source(%arg6 : memref<160x128xf32, #tpu.memory_space<vmem>>) target(%dma_start3A_42 : memref<160x128xf32, #tpu.memory_space<hbm>>) target_semaphore(%run_scoped3A : memref<!tpu.dma_semaphore, #tpu.memory_space<semaphore_mem>>)
      %dma_wait3A = arith.constant 0 : i32
      %dma_wait3A_43 = tpu.memref_slice %arg5[%add3A_35, %dma_wait3A] : memref<20736x128xf32, #tpu.memory_space<hbm>> -> memref<160x128xf32, #tpu.memory_space<hbm>>
      %dma_wait3A_44 = arith.constant 0 : i32
      %dma_wait3A_45 = tpu.memref_slice %arg5[%add3A_35, %dma_wait3A_44] : memref<20736x128xf32, #tpu.memory_space<hbm>> -> memref<160x128xf32, #tpu.memory_space<hbm>>
      tpu.wait_dma2 semaphore(%run_scoped3A : memref<!tpu.dma_semaphore, #tpu.memory_space<semaphore_mem>>) src(%arg6 : memref<160x128xf32, #tpu.memory_space<vmem>>) dst(%dma_wait3A_45 : memref<160x128xf32, #tpu.memory_space<hbm>>)
      tpu.yield
    }) : () -> ()
    %add3A_36 = arith.constant 640 : i32
    %add3A_37 = arith.addi %multiple_of3A, %add3A_36 : i32
    "tpu.region"() ({
      %run_scoped3A = tpu.sem_alloc : memref<!tpu.dma_semaphore, #tpu.memory_space<semaphore_mem>>
      %dma_start3A = arith.constant 0 : i32
      %dma_start3A_40 = arith.constant 0 : i32
      %dma_start3A_41 = tpu.memref_slice %arg6[%dma_start3A, %dma_start3A_40] : memref<160x128xf32, #tpu.memory_space<vmem>> -> memref<8x128xf32, #tpu.memory_space<vmem>>
      %dma_start3A_42 = arith.constant 0 : i32
      %dma_start3A_43 = tpu.memref_slice %arg8[%add3A_37, %dma_start3A_42] : memref<10368x128xf32, #tpu.memory_space<vmem_shared>> -> memref<8x128xf32, #tpu.memory_space<vmem_shared>>
      %dma_start3A_44 = arith.constant 0 : i32
      %dma_start3A_45 = arith.constant 0 : i32
      %dma_start3A_46 = tpu.memref_slice %arg6[%dma_start3A_44, %dma_start3A_45] : memref<160x128xf32, #tpu.memory_space<vmem>> -> memref<8x128xf32, #tpu.memory_space<vmem>>
      %dma_start3A_47 = arith.constant 0 : i32
      %dma_start3A_48 = tpu.memref_slice %arg8[%add3A_37, %dma_start3A_47] : memref<10368x128xf32, #tpu.memory_space<vmem_shared>> -> memref<8x128xf32, #tpu.memory_space<vmem_shared>>
      tpu.enqueue_dma source(%dma_start3A_48 : memref<8x128xf32, #tpu.memory_space<vmem_shared>>) target(%dma_start3A_46 : memref<8x128xf32, #tpu.memory_space<vmem>>) target_semaphore(%run_scoped3A : memref<!tpu.dma_semaphore, #tpu.memory_space<semaphore_mem>>)
      %dma_wait3A = arith.constant 0 : i32
      %dma_wait3A_49 = arith.constant 0 : i32
      %dma_wait3A_50 = tpu.memref_slice %arg6[%dma_wait3A, %dma_wait3A_49] : memref<160x128xf32, #tpu.memory_space<vmem>> -> memref<8x128xf32, #tpu.memory_space<vmem>>
      %dma_wait3A_51 = arith.constant 0 : i32
      %dma_wait3A_52 = tpu.memref_slice %arg8[%add3A_37, %dma_wait3A_51] : memref<10368x128xf32, #tpu.memory_space<vmem_shared>> -> memref<8x128xf32, #tpu.memory_space<vmem_shared>>
      %dma_wait3A_53 = arith.constant 0 : i32
      %dma_wait3A_54 = arith.constant 0 : i32
      %dma_wait3A_55 = tpu.memref_slice %arg6[%dma_wait3A_53, %dma_wait3A_54] : memref<160x128xf32, #tpu.memory_space<vmem>> -> memref<8x128xf32, #tpu.memory_space<vmem>>
      %dma_wait3A_56 = arith.constant 0 : i32
      %dma_wait3A_57 = tpu.memref_slice %arg8[%add3A_37, %dma_wait3A_56] : memref<10368x128xf32, #tpu.memory_space<vmem_shared>> -> memref<8x128xf32, #tpu.memory_space<vmem_shared>>
      tpu.wait_dma2 semaphore(%run_scoped3A : memref<!tpu.dma_semaphore, #tpu.memory_space<semaphore_mem>>) src(%dma_wait3A_57 : memref<8x128xf32, #tpu.memory_space<vmem_shared>>) dst(%dma_wait3A_55 : memref<8x128xf32, #tpu.memory_space<vmem>>)
      tpu.yield
    }) : () -> ()
    %add3A_38 = arith.constant 640 : i32
    %add3A_39 = arith.addi %multiple_of3A_19, %add3A_38 : i32
    "tpu.region"() ({
      %run_scoped3A = tpu.sem_alloc : memref<!tpu.dma_semaphore, #tpu.memory_space<semaphore_mem>>
      %dma_start3A = arith.constant 0 : i32
      %dma_start3A_40 = arith.constant 0 : i32
      %dma_start3A_41 = tpu.memref_slice %arg6[%dma_start3A, %dma_start3A_40] : memref<160x128xf32, #tpu.memory_space<vmem>> -> memref<8x128xf32, #tpu.memory_space<vmem>>
      %dma_start3A_42 = arith.constant 0 : i32
      %dma_start3A_43 = tpu.memref_slice %arg5[%add3A_39, %dma_start3A_42] : memref<20736x128xf32, #tpu.memory_space<hbm>> -> memref<8x128xf32, #tpu.memory_space<hbm>>
      %dma_start3A_44 = arith.constant 0 : i32
      %dma_start3A_45 = tpu.memref_slice %arg5[%add3A_39, %dma_start3A_44] : memref<20736x128xf32, #tpu.memory_space<hbm>> -> memref<8x128xf32, #tpu.memory_space<hbm>>
      %dma_start3A_46 = arith.constant 0 : i32
      %dma_start3A_47 = arith.constant 0 : i32
      %dma_start3A_48 = tpu.memref_slice %arg6[%dma_start3A_46, %dma_start3A_47] : memref<160x128xf32, #tpu.memory_space<vmem>> -> memref<8x128xf32, #tpu.memory_space<vmem>>
      tpu.enqueue_dma source(%dma_start3A_48 : memref<8x128xf32, #tpu.memory_space<vmem>>) target(%dma_start3A_45 : memref<8x128xf32, #tpu.memory_space<hbm>>) target_semaphore(%run_scoped3A : memref<!tpu.dma_semaphore, #tpu.memory_space<semaphore_mem>>)
      %dma_wait3A = arith.constant 0 : i32
      %dma_wait3A_49 = arith.constant 0 : i32
      %dma_wait3A_50 = tpu.memref_slice %arg6[%dma_wait3A, %dma_wait3A_49] : memref<160x128xf32, #tpu.memory_space<vmem>> -> memref<8x128xf32, #tpu.memory_space<vmem>>
      %dma_wait3A_51 = arith.constant 0 : i32
      %dma_wait3A_52 = tpu.memref_slice %arg5[%add3A_39, %dma_wait3A_51] : memref<20736x128xf32, #tpu.memory_space<hbm>> -> memref<8x128xf32, #tpu.memory_space<hbm>>
      %dma_wait3A_53 = arith.constant 0 : i32
      %dma_wait3A_54 = tpu.memref_slice %arg5[%add3A_39, %dma_wait3A_53] : memref<20736x128xf32, #tpu.memory_space<hbm>> -> memref<8x128xf32, #tpu.memory_space<hbm>>
      %dma_wait3A_55 = arith.constant 0 : i32
      %dma_wait3A_56 = arith.constant 0 : i32
      %dma_wait3A_57 = tpu.memref_slice %arg6[%dma_wait3A_55, %dma_wait3A_56] : memref<160x128xf32, #tpu.memory_space<vmem>> -> memref<8x128xf32, #tpu.memory_space<vmem>>
      tpu.wait_dma2 semaphore(%run_scoped3A : memref<!tpu.dma_semaphore, #tpu.memory_space<semaphore_mem>>) src(%dma_wait3A_57 : memref<8x128xf32, #tpu.memory_space<vmem>>) dst(%dma_wait3A_54 : memref<8x128xf32, #tpu.memory_space<hbm>>)
      tpu.yield
    }) : () -> ()
    return
  }
}

module attributes {stable_mosaic.version = 14 : i64} {
  func.func @_tc_body(%arg0: i32, %arg1: memref<2x3456x128xf32, #tpu.memory_space<vmem>>, %arg2: memref<2x1x3456xf32, #tpu.memory_space<vmem>>, %arg3: memref<1x1xf32, #tpu.memory_space<smem>>, %arg4: memref<4x128xf32, #tpu.memory_space<vmem>>) attributes {dimension_semantics = [#tpu.dimension_semantics<arbitrary>], iteration_bounds = array<i64: 3>, scalar_prefetch = 0 : i64, scratch_operands = 1 : i64, tpu.core_type = #tpu.core_type<tc>, window_params = [{transform_indices = @transform_0, window_bounds = array<i64: 2, 3456, 128>}, {transform_indices = @transform_1, window_bounds = array<i64: 2, 1, 3456>}, {transform_indices = @transform_2, window_bounds = array<i64: 1, 1>}]} {
    %eq3A = arith.constant 0 : i32
    %eq3A_0 = arith.cmpi eq, %arg0, %eq3A : i32
    %convert_element_type3A = arith.extui %eq3A_0 : i1 to i32
    %cond3A = arith.constant 0 : i32
    %cond3A_1 = arith.cmpi ne, %convert_element_type3A, %cond3A : i32
    scf.if %cond3A_1 {
      %broadcast_in_dim3A_57 = arith.constant 0.000000e+00 : f32
      %broadcast_in_dim3A_58 = vector.broadcast %broadcast_in_dim3A_57 : f32 to vector<4x128xf32>
      %swap3A_59 = arith.constant 0 : index
      %swap3A_60 = arith.constant 0 : index
      %swap3A_61 = vector.load %arg4[%swap3A_59, %swap3A_60] : memref<4x128xf32, #tpu.memory_space<vmem>>, vector<4x128xf32>
      tpu.vector_store %arg4[%swap3A_59, %swap3A_60], %broadcast_in_dim3A_58 {strides = array<i32>} : memref<4x128xf32, #tpu.memory_space<vmem>>, vector<4x128xf32>,
    } else {
    }
    %get3A = arith.constant 0 : index
    %get3A_2 = arith.constant 0 : index
    %get3A_3 = arith.constant 0 : index
    %get3A_4 = vector.load %arg1[%get3A, %get3A_2, %get3A_3] : memref<2x3456x128xf32, #tpu.memory_space<vmem>>, vector<2x3456x128xf32>
    %get3A_5 = arith.constant 0 : index
    %get3A_6 = arith.constant 0 : index
    %get3A_7 = arith.constant 0 : index
    %get3A_8 = vector.load %arg2[%get3A_5, %get3A_6, %get3A_7] : memref<2x1x3456xf32, #tpu.memory_space<vmem>>, vector<2x1x3456xf32>
    %reduce_sum3A = arith.constant dense<0.000000e+00> : vector<2x3456xf32>
    %reduce_sum3A_9 = vector.multi_reduction <add>, %get3A_8, %reduce_sum3A [1] : vector<2x1x3456xf32> to vector<2x3456xf32>
    %broadcast_in_dim3A = vector.shape_cast %reduce_sum3A_9 : vector<2x3456xf32> to vector<2x3456x1xf32>
    %max3A = arith.constant 1.000000e+00 : f32
    %max3A_10 = vector.broadcast %max3A : f32 to vector<2x3456x1xf32>
    %max3A_11 = arith.maximumf %broadcast_in_dim3A, %max3A_10 : vector<2x3456x1xf32>
    %div3A = vector.broadcast %max3A_11 : vector<2x3456x1xf32> to vector<2x3456x128xf32>
    %div3A_12 = arith.divf %get3A_4, %div3A : vector<2x3456x128xf32>
    %reduce_max3A = arith.constant dense<0xFF800000> : vector<2x3456xf32>
    %reduce_max3A_13 = vector.multi_reduction <maximumf>, %div3A_12, %reduce_max3A [2] : vector<2x3456x128xf32> to vector<2x3456xf32>
    %broadcast_in_dim3A_14 = vector.shape_cast %reduce_max3A_13 : vector<2x3456xf32> to vector<2x3456x1xf32>
    %sub3A = vector.broadcast %broadcast_in_dim3A_14 : vector<2x3456x1xf32> to vector<2x3456x128xf32>
    %sub3A_15 = arith.subf %div3A_12, %sub3A : vector<2x3456x128xf32>
    %exp3A = math.exp %sub3A_15 : vector<2x3456x128xf32>
    %reduce_sum3A_16 = arith.constant dense<0.000000e+00> : vector<2x3456xf32>
    %reduce_sum3A_17 = vector.multi_reduction <add>, %exp3A, %reduce_sum3A_16 [2] : vector<2x3456x128xf32> to vector<2x3456xf32>
    %broadcast_in_dim3A_18 = vector.shape_cast %reduce_sum3A_17 : vector<2x3456xf32> to vector<2x3456x1xf32>
    %div3A_19 = vector.broadcast %broadcast_in_dim3A_18 : vector<2x3456x1xf32> to vector<2x3456x128xf32>
    %div3A_20 = arith.divf %exp3A, %div3A_19 : vector<2x3456x128xf32>
    %sub3A_21 = vector.broadcast %broadcast_in_dim3A_14 : vector<2x3456x1xf32> to vector<2x3456x128xf32>
    %sub3A_22 = arith.subf %div3A_12, %sub3A_21 : vector<2x3456x128xf32>
    %log3A = math.log %broadcast_in_dim3A_18 : vector<2x3456x1xf32>
    %sub3A_23 = vector.broadcast %log3A : vector<2x3456x1xf32> to vector<2x3456x128xf32>
    %sub3A_24 = arith.subf %sub3A_22, %sub3A_23 : vector<2x3456x128xf32>
    %mul3A = arith.constant 3456 : i32
    %mul3A_25 = arith.muli %arg0, %mul3A : i32
    %iota3A = tpu.iota {dimensions = array<i32: 1>} : vector<2x3456x1xi32>
    %add3A = vector.broadcast %mul3A_25 : i32 to vector<2x3456x1xi32>
    %add3A_26 = arith.addi %add3A, %iota3A : vector<2x3456x1xi32>
    %lt3A = arith.constant 10000 : i32
    %lt3A_27 = vector.broadcast %lt3A : i32 to vector<2x3456x1xi32>
    %lt3A_28 = arith.cmpi slt, %add3A_26, %lt3A_27 : vector<2x3456x1xi32>
    %convert_element_type3A_29 = arith.extui %lt3A_28 : vector<2x3456x1xi1> to vector<2x3456x1xi32>
    %convert_element_type3A_30 = arith.sitofp %convert_element_type3A_29 : vector<2x3456x1xi32> to vector<2x3456x1xf32>
    %get3A_31 = arith.constant 0 : index
    %get3A_32 = arith.constant 0 : index
    %get3A_33 = vector.load %arg4[%get3A_31, %get3A_32] : memref<4x128xf32, #tpu.memory_space<vmem>>, vector<2x128xf32>
    %mul3A_34 = vector.broadcast %convert_element_type3A_30 : vector<2x3456x1xf32> to vector<2x3456x128xf32>
    %mul3A_35 = arith.mulf %div3A_20, %mul3A_34 : vector<2x3456x128xf32>
    %reduce_sum3A_36 = arith.constant dense<0.000000e+00> : vector<2x128xf32>
    %reduce_sum3A_37 = vector.multi_reduction <add>, %mul3A_35, %reduce_sum3A_36 [1] : vector<2x3456x128xf32> to vector<2x128xf32>
    %add3A_38 = arith.addf %get3A_33, %reduce_sum3A_37 : vector<2x128xf32>
    %swap3A = arith.constant 0 : index
    %swap3A_39 = arith.constant 0 : index
    %swap3A_40 = vector.load %arg4[%swap3A, %swap3A_39] : memref<4x128xf32, #tpu.memory_space<vmem>>, vector<2x128xf32>
    tpu.vector_store %arg4[%swap3A, %swap3A_39], %add3A_38 {strides = array<i32>} : memref<4x128xf32, #tpu.memory_space<vmem>>, vector<2x128xf32>,
    %get3A_41 = arith.constant 2 : index
    %get3A_42 = arith.constant 0 : index
    %get3A_43 = vector.load %arg4[%get3A_41, %get3A_42] : memref<4x128xf32, #tpu.memory_space<vmem>>, vector<2x128xf32>
    %mul3A_44 = vector.broadcast %convert_element_type3A_30 : vector<2x3456x1xf32> to vector<2x3456x128xf32>
    %mul3A_45 = arith.mulf %sub3A_24, %mul3A_44 : vector<2x3456x128xf32>
    %reduce_sum3A_46 = arith.constant dense<0.000000e+00> : vector<2x128xf32>
    %reduce_sum3A_47 = vector.multi_reduction <add>, %mul3A_45, %reduce_sum3A_46 [1] : vector<2x3456x128xf32> to vector<2x128xf32>
    %add3A_48 = arith.addf %get3A_43, %reduce_sum3A_47 : vector<2x128xf32>
    %swap3A_49 = arith.constant 2 : index
    %swap3A_50 = arith.constant 0 : index
    %swap3A_51 = vector.load %arg4[%swap3A_49, %swap3A_50] : memref<4x128xf32, #tpu.memory_space<vmem>>, vector<2x128xf32>
    tpu.vector_store %arg4[%swap3A_49, %swap3A_50], %add3A_48 {strides = array<i32>} : memref<4x128xf32, #tpu.memory_space<vmem>>, vector<2x128xf32>,
    %eq3A_52 = arith.constant 2 : i32
    %eq3A_53 = arith.cmpi eq, %arg0, %eq3A_52 : i32
    %convert_element_type3A_54 = arith.extui %eq3A_53 : i1 to i32
    %cond3A_55 = arith.constant 0 : i32
    %cond3A_56 = arith.cmpi ne, %convert_element_type3A_54, %cond3A_55 : i32
    scf.if %cond3A_56 {
      %get3A_57 = arith.constant 0 : index
      %get3A_58 = arith.constant 0 : index
      %get3A_59 = vector.load %arg4[%get3A_57, %get3A_58] : memref<4x128xf32, #tpu.memory_space<vmem>>, vector<4x128xf32>
      %mul3A_60 = arith.constant 9.99999974E-5 : f32
      %mul3A_61 = vector.broadcast %mul3A_60 : f32 to vector<4x128xf32>
      %mul3A_62 = arith.mulf %get3A_59, %mul3A_61 : vector<4x128xf32>
      %slice3A = vector.extract_strided_slice %mul3A_62 {offsets = [0, 0], sizes = [1, 128], strides = [1, 1]} : vector<4x128xf32> to vector<1x128xf32>
      %slice3A_63 = vector.extract_strided_slice %mul3A_62 {offsets = [1, 0], sizes = [1, 128], strides = [1, 1]} : vector<4x128xf32> to vector<1x128xf32>
      %slice3A_64 = vector.extract_strided_slice %mul3A_62 {offsets = [2, 0], sizes = [1, 128], strides = [1, 1]} : vector<4x128xf32> to vector<1x128xf32>
      %slice3A_65 = vector.extract_strided_slice %mul3A_62 {offsets = [3, 0], sizes = [1, 128], strides = [1, 1]} : vector<4x128xf32> to vector<1x128xf32>
      %log3A_66 = math.log %slice3A : vector<1x128xf32>
      %log3A_67 = math.log %slice3A_63 : vector<1x128xf32>
      %sub3A_68 = arith.subf %log3A_66, %slice3A_64 : vector<1x128xf32>
      %mul3A_69 = arith.mulf %slice3A, %sub3A_68 : vector<1x128xf32>
      %reduce_sum3A_70 = vector.shape_cast %mul3A_69 : vector<1x128xf32> to vector<1x1x128xf32>
      %reduce_sum3A_71 = arith.constant dense<0.000000e+00> : vector<1xf32>
      %reduce_sum3A_72 = vector.multi_reduction <add>, %reduce_sum3A_70, %reduce_sum3A_71 [1, 2] : vector<1x1x128xf32> to vector<1xf32>
      %reduce_sum3A_73 = vector.shape_cast %reduce_sum3A_72 : vector<1xf32> to vector<1x1x1xf32>
      %reduce_sum3A_74 = vector.extract %reduce_sum3A_73[0, 0, 0] : f32 from vector<1x1x1xf32>
      %sub3A_75 = arith.subf %log3A_67, %slice3A_65 : vector<1x128xf32>
      %mul3A_76 = arith.mulf %slice3A_63, %sub3A_75 : vector<1x128xf32>
      %reduce_sum3A_77 = vector.shape_cast %mul3A_76 : vector<1x128xf32> to vector<1x1x128xf32>
      %reduce_sum3A_78 = arith.constant dense<0.000000e+00> : vector<1xf32>
      %reduce_sum3A_79 = vector.multi_reduction <add>, %reduce_sum3A_77, %reduce_sum3A_78 [1, 2] : vector<1x1x128xf32> to vector<1xf32>
      %reduce_sum3A_80 = vector.shape_cast %reduce_sum3A_79 : vector<1xf32> to vector<1x1x1xf32>
      %reduce_sum3A_81 = vector.extract %reduce_sum3A_80[0, 0, 0] : f32 from vector<1x1x1xf32>
      %sub3A_82 = arith.subf %log3A_67, %log3A_66 : vector<1x128xf32>
      %mul3A_83 = arith.mulf %slice3A_63, %sub3A_82 : vector<1x128xf32>
      %reduce_sum3A_84 = vector.shape_cast %mul3A_83 : vector<1x128xf32> to vector<1x1x128xf32>
      %reduce_sum3A_85 = arith.constant dense<0.000000e+00> : vector<1xf32>
      %reduce_sum3A_86 = vector.multi_reduction <add>, %reduce_sum3A_84, %reduce_sum3A_85 [1, 2] : vector<1x1x128xf32> to vector<1xf32>
      %reduce_sum3A_87 = vector.shape_cast %reduce_sum3A_86 : vector<1xf32> to vector<1x1x1xf32>
      %reduce_sum3A_88 = vector.extract %reduce_sum3A_87[0, 0, 0] : f32 from vector<1x1x1xf32>
      %sub3A_89 = arith.subf %log3A_66, %log3A_67 : vector<1x128xf32>
      %mul3A_90 = arith.mulf %slice3A, %sub3A_89 : vector<1x128xf32>
      %reduce_sum3A_91 = vector.shape_cast %mul3A_90 : vector<1x128xf32> to vector<1x1x128xf32>
      %reduce_sum3A_92 = arith.constant dense<0.000000e+00> : vector<1xf32>
      %reduce_sum3A_93 = vector.multi_reduction <add>, %reduce_sum3A_91, %reduce_sum3A_92 [1, 2] : vector<1x1x128xf32> to vector<1xf32>
      %reduce_sum3A_94 = vector.shape_cast %reduce_sum3A_93 : vector<1xf32> to vector<1x1x1xf32>
      %reduce_sum3A_95 = vector.extract %reduce_sum3A_94[0, 0, 0] : f32 from vector<1x1x1xf32>
      %add3A_96 = arith.constant 1.000000e+00 : f32
      %add3A_97 = arith.addf %add3A_96, %reduce_sum3A_74 : f32
      %add3A_98 = arith.addf %add3A_97, %reduce_sum3A_81 : f32
      %add3A_99 = arith.addf %reduce_sum3A_88, %reduce_sum3A_95 : f32
      %mul3A_100 = arith.constant 5.000000e-01 : f32
      %mul3A_101 = arith.mulf %mul3A_100, %add3A_99 : f32
      %sub3A_102 = arith.subf %add3A_98, %mul3A_101 : f32
      %max3A_103 = arith.constant 0.000000e+00 : f32
      %max3A_104 = arith.maximumf %sub3A_102, %max3A_103 : f32
      %swap3A_105 = arith.constant 0 : index
      %swap3A_106 = arith.constant 0 : index
      %swap3A_107 = memref.load %arg3[%swap3A_105, %swap3A_106] : memref<1x1xf32, #tpu.memory_space<smem>>
      memref.store %max3A_104, %arg3[%swap3A_105, %swap3A_106] : memref<1x1xf32, #tpu.memory_space<smem>>
    } else {
    }
    return
  }
  func.func @transform_0(%arg0: i32) -> (i32, i32, i32) {
    %c0_i32 = arith.constant 0 : i32
    %c0_i32_0 = arith.constant 0 : i32
    %c0_i32_1 = arith.constant 0 : i32
    return %c0_i32, %arg0, %c0_i32_0 : i32, i32, i32
  }
  func.func @transform_1(%arg0: i32) -> (i32, i32, i32) {
    %c0_i32 = arith.constant 0 : i32
    %c0_i32_0 = arith.constant 0 : i32
    %c0_i32_1 = arith.constant 0 : i32
    return %c0_i32, %c0_i32_0, %arg0 : i32, i32, i32
  }
  func.func @transform_2(%arg0: i32) -> (i32, i32) {
    %c0_i32 = arith.constant 0 : i32
    %c0_i32_0 = arith.constant 0 : i32
    %c0_i32_1 = arith.constant 0 : i32
    return %c0_i32, %c0_i32_0 : i32, i32
  }
}

</mosaic_0001>

<sc_bundles>
// kernel: kernel.4.cloned.1.call-start
scs
__scs_entry_jumppad:
0x0: {  	(pc) =	sbr.rel $0x88, $3  }
0x1: {  	(tag) =	ssettag $0x0;
	lr =	simm.s32 $0x1  }
0x2: {  	[smem:$0x3F9F] =	sst lr;
	_ =	strace $0xD0000000  }
0x3: {  	_ = 	snop  }
0x4: {  	_ = 	snop  }
0x5: {  	_ = 	snop  }
0x6: {  	_ = 	snop  }
0x7: {  	_ = 	snop  }
__scs_overlays_trampoline_lowered:
0x8: {  	[smem:$0x3FAE] =	sst s0  }
0x9: {  	[smem:$0x3FAF] =	sst s1  }
0xa: {  	[smem:$0x3FB0] =	sst s2  }
0xb: {  	[smem:$0x3FB1] =	sst s3  }
0xc: {  	[smem:$0x3FB2] =	sst s4  }
0xd: {  	[smem:$0x3FB3] =	sst s5  }
0xe: {  	[smem:$0x3FB4] =	sst s6  }
0xf: {  	[smem:$0x3FB5] =	sst s7  }
0x10: {  	[smem:$0x3FB6] =	sst s8  }
0x11: {  	[smem:$0x3FB7] =	sst s9;
	s0 =	simm.s32 @!p0 $0x0  }
0x12: {  	s1 =	sld [smem:$0x3F9D];
	s0 =	simm.s32 @p0 $0x1  }
0x13: {  	[smem:$0x3FB8] =	sst s0;
	s0 =	simm.s32 @!p1 $0x0  }
0x14: {  	s2 =	sld [smem:$0x3F9C];
	s0 =	simm.s32 @p1 $0x1  }
0x15: {  	[smem:$0x3FB9] =	sst s0;
	s0 =	simm.s32 @!p2 $0x0  }
0x16: {  	s3 =	sld [smem:$0x3FDB];
	s0 =	simm.s32 @p2 $0x1  }
0x17: {  	s4 =	simm.s32 $0x1BF5;
	[smem:$0x3FBB] =	sst s0  }
0x18: {  	s0 =	sld [smem:$0x3F9E];
	_ =	swait.ge [sflag:s4], $0x0  }
0x19: {  	s7 =	sld [smem:$0x3F9F]  }
0x1a: {  	s8 =	sadd.s32 $0xFFFFE003, lr  }
0x1b: {  	s9 =	sadd.s32 $0xFFFFFEF7, lr;
	s5 =	simm.s32 $0xFFFFFFFF;
	p2 =	slt.u32 s8, $0xFFFFF086  }
0x1c: {  	p1 =	slt.u32 s9, $0xF7A;
	s5 =	simm.s32 @!p2 $0x0  }
0x1d: {  	s5 =	simm.s32 @p1 $0x1;
	p0 =	seq.s32 s7, s2  }
0x1e: {  	s7 =	smul.u32 @!p0 $0xF7A, s2;
	p2 =	seq.s32 @!p0 s5, $0x0  }
0x1f: {  	s9 =	smul.u32 $0xF7A, s1;
	s8 =	simm.s32 @!p0 $0x1BF5;
	p2 =	por !p2, p0  }
0x20: {  	[sflag:s8] =	ssyncset.s32 @!p0 $0xFFFFF086;
	s6 =	sadd.s32 @!p0 s3, s7;
	s7 =	simm.s32 @!p0 $0x108  }
0x21: {  	s3 =	sadd.s32 s3, s9;
	s6 =	sadd.s32 @!p0 $0x88, s6;
	s7 =	simm.s32 @p2 $0x1082  }
0x22: {  	[simem:s7], [sflag:s8] =	dma.local @!p0 [hbm:s6], $0xF7A  }
0x23: {  	s9 =	sor.u32 $0xD0000000, s2;
	s6 =	simm.s32 $0x108;
	_ =	swait.ge @!p0 [sflag:s8], $0x0  }
0x24: {  	s3 =	sadd.s32 $0x88, s3;
	s6 =	simm.s32 @!p1 $0x1082;
	[sflag:s4] =	ssyncset.s32 $0xFFFFF086  }
0x25: {  	[simem:s6], [sflag:s4] =	dma.local [hbm:s3], $0xF7A  }
0x26: {  	[smem:$0x3F9F] =	sst s1;
	(tag) =	ssettag s2;
	_ =	strace s9  }
0x27: {  	s1 =	sld [smem:$0x3FAF]  }
0x28: {  	s2 =	sld [smem:$0x3FB0]  }
0x29: {  	s4 =	sld [smem:$0x3FB2]  }
0x2a: {  	p0 =	seq.s32 s5, $0x0;
	s5 =	sld [smem:$0x3FB3]  }
0x2b: {  	s6 =	sld [smem:$0x3FB4]  }
0x2c: {  	s7 =	sld [smem:$0x3FB5]  }
0x2d: {  	s3 =	simm.s32 $0x108;
	s8 =	sld [smem:$0x3FB6]  }
0x2e: {  	s3 =	simm.s32 @!p0 $0x1082;
	s9 =	sld [smem:$0x3FB7]  }
0x2f: {  	lr =	sadd.s32 s0, s3;
	s0 =	sld [smem:$0x3FAE]  }
0x30: {  	s3 =	sld [smem:$0x3FB1]  }
0x31: {  	[smem:$0x3FBA] =	sst s10  }
0x32: {  	s10 =	sld [smem:$0x3FB8];
	_ =	sdelay $0x3  }
0x33: {  	p0 =	seq.s32 s10, $0x1;
	s10 =	sld [smem:$0x3FBA];
	_ =	sdelay $0x3  }
0x34: {  	[smem:$0x3FBA] =	sst s10  }
0x35: {  	s10 =	sld [smem:$0x3FB9];
	_ =	sdelay $0x3  }
0x36: {  	p1 =	seq.s32 s10, $0x1;
	s10 =	sld [smem:$0x3FBA];
	_ =	sdelay $0x3  }
0x37: {  	[smem:$0x3FBA] =	sst s10  }
0x38: {  	s10 =	sld [smem:$0x3FBB]  }
0x39: {  	_ = 	snop;
	(pc) =	sbr.ind lr, $3  }
0x3a: {  	_ = 	snop  }
0x3b: {  	_ = 	snop  }
0x3c: {  	p2 =	seq.s32 s10, $0x1;
	s10 =	sld [smem:$0x3FBA]  }
0x3d: {  	_ =	shalt  }
0x3e: {  	_ =	shalt  }
0x3f: {  	_ =	shalt  }
0x40: {  	_ =	shalt  }
0x41: {  	_ =	shalt  }
0x42: {  	_ =	shalt  }
0x43: {  	_ =	shalt  }
0x44: {  	_ =	shalt  }
0x45: {  	_ =	shalt  }
0x46: {  	_ =	shalt  }
0x47: {  	_ =	shalt  }
0x48: {  	_ =	shalt  }
0x49: {  	_ =	shalt  }
0x4a: {  	_ =	shalt  }
0x4b: {  	_ =	shalt  }
0x4c: {  	_ =	shalt  }
0x4d: {  	_ =	shalt  }
0x4e: {  	_ =	shalt  }
0x4f: {  	_ =	shalt  }
0x50: {  	_ =	shalt  }
0x51: {  	_ =	shalt  }
0x52: {  	_ =	shalt  }
0x53: {  	_ =	shalt  }
0x54: {  	_ =	shalt  }
0x55: {  	_ =	shalt  }
0x56: {  	_ =	shalt  }
0x57: {  	_ =	shalt  }
0x58: {  	_ =	shalt  }
0x59: {  	_ =	shalt  }
0x5a: {  	_ =	shalt  }
0x5b: {  	_ =	shalt  }
0x5c: {  	_ =	shalt  }
0x5d: {  	_ =	shalt  }
0x5e: {  	_ =	shalt  }
0x5f: {  	_ =	shalt  }
0x60: {  	_ =	shalt  }
0x61: {  	_ =	shalt  }
0x62: {  	_ =	shalt  }
0x63: {  	_ =	shalt  }
0x64: {  	_ =	shalt  }
0x65: {  	_ =	shalt  }
0x66: {  	_ =	shalt  }
0x67: {  	_ =	shalt  }
0x68: {  	_ =	shalt  }
0x69: {  	_ =	shalt  }
0x6a: {  	_ =	shalt  }
0x6b: {  	_ =	shalt  }
0x6c: {  	_ =	shalt  }
0x6d: {  	_ =	shalt  }
0x6e: {  	_ =	shalt  }
0x6f: {  	_ =	shalt  }
0x70: {  	_ =	shalt  }
0x71: {  	_ =	shalt  }
0x72: {  	_ =	shalt  }
0x73: {  	_ =	shalt  }
0x74: {  	_ =	shalt  }
0x75: {  	_ =	shalt  }
0x76: {  	_ =	shalt  }
0x77: {  	_ =	shalt  }
0x78: {  	_ =	shalt  }
0x79: {  	_ =	shalt  }
0x7a: {  	_ =	shalt  }
0x7b: {  	_ =	shalt  }
0x7c: {  	_ =	shalt  }
0x7d: {  	_ =	shalt  }
0x7e: {  	_ =	shalt  }
0x7f: {  	_ =	shalt  }
0x80: {  	_ =	shalt  }
0x81: {  	_ =	shalt  }
0x82: {  	_ =	shalt  }
0x83: {  	_ =	shalt  }
0x84: {  	_ =	shalt  }
0x85: {  	_ =	shalt  }
0x86: {  	_ =	shalt  }
0x87: {  	_ =	shalt  }
.Lfunc_end0:
.L_simem_size_0:
called_computation.1_lowered:
.L_overlay_start_0:
0x88: {  	s2 =	sld [smem:$0x3FD9]  }
0x89: {  	s3 =	sld [smem:$0x3FFE];
	_ =	sdelay $0x1  }
0x8a: {  	s1 =	srdreg.scid  }
0x8b: {  	s0 =	sand.u32 $0x1, s1  }
0x8c: {  	s17 =	sshll.u32 s0, $0xA;
	s2 =	sadd.s32 s3, s2  }
0x8d: {  	s2 =	sadd.s32 s2, s17  }
0x8e: {  	[smem:$0x3FC6] =	sst s2  }
0x8f: {  	_ = 	snop  }
0x90: {  	s18 =	sld [smem:$0x3FC9];
	(tm) =	ssettm $0x1  }
0x91: {  	s19 =	sld [smem:$0x3FFB];
	_ =	sdelay $0x3  }
0x92: {  	_ =	strace s19  }
0x93: {  	s2 =	sld [smem:$0x3FFC];
	_ =	sdelay $0x3  }
0x94: {  	_ =	strace s2  }
0x95: {  	s2 =	sld [smem:$0x3FFD];
	_ =	sdelay $0x3  }
0x96: {  	_ =	strace s2  }
0x97: {  	_ =	strace $0x8FFFFFFF  }
0x98: {  	s20 =	sld [smem:$0x3FDB];
	_ =	sdelay $0x1  }
0x99: {  	s4 =	simm.s32 $_scs_section_size  }
0x9a: {  	s5 =	simm.s32 $_size__tile_overlayer_lowered;
	s6 =	simm.s32 $_tile_overlayer_lowered  }
0x9b: {  	s7 =	simm.s32 $0x1BFF;
	s21 =	sshll.u32 s6, $0x1;
	s4 =	sadd.s32 s4, s20  }
0x9c: {  	s22 =	simm.s32 $0x0;
	s5 =	sshll.u32 s5, $0x1;
	s6 =	sadd.s32 s21, s4  }
0x9d: {  	[timem:s22], [sflag:s7] =	dma.local [hbm:s6], s5  }
0x9e: {  	_ =	swait.ge [sflag:s7], s5  }
0x9f: {  	s5 =	ssub.s32 $0x0, s5;
	[sflag:s7] =	ssyncset.done $0x0  }
0xa0: {  	[sflag:s7] =	ssyncadd.s32 s5;
	_ =	sdelay $0x1  }
0xa1: {  	s23 =	simm.s32 $0x1B8B  }
0xa2: {  	_ =	swait.ge [sflag:s23], $0x1  }
0xa3: {  	[sflag:s23] =	ssyncset.done $0x0  }
0xa4: {  	[sflag:s23] =	ssyncadd.s32 $0xFFFFFFFF  }
0xa5: {  	s5 =	sld [smem:$0x0]  }
0xa6: {  	s6 =	sand.u32 $0xFFFFFFFE, s1  }
0xa7: {  	p0 =	sne.s32 s1, s6  }
0xa8: {  	s6 =	sshll.u32 @p0 s6, $0xE  }
0xa9: {  	s6 =	sadd.s32 @p0 $0x11B8D, s6;
	s7 =	sshll.u32 @p0 s5, $0x11  }
0xaa: {  	s6 =	sor.u32 @p0 s7, s6  }
0xab: {  	[sflag:s6] =	ssyncadd.remote.s32 @p0 $0x1;
	_ =	sdelay $0x1  }
0xac: {  	s6 =	simm.s32 @p0 $0x1B8D  }
0xad: {  	_ =	swait.eq @p0 [sflag:s6], $0x1  }
0xae: {  	[sflag:s6] =	ssyncadd.s32 @p0 $0xFFFFFFFF  }
0xaf: {  	s7 =	sshll.u32 @!p0 s1, $0xE  }
0xb0: {  	s7 =	sor.u32 @!p0 $0x4000, s7;
	s6 =	simm.s32 @!p0 $0x1B8D  }
0xb1: {  	s5 =	sshll.u32 @!p0 s5, $0x11;
	s7 =	sadd.s32 @!p0 $0x11B8D, s7;
	_ =	swait.eq @!p0 [sflag:s6], $0x1  }
0xb2: {  	s5 =	sor.u32 @!p0 s5, s7;
	[sflag:s6] =	ssyncadd.s32 @!p0 $0xFFFFFFFF  }
0xb3: {  	s25 =	simm.s32 $0x1B8E;
	s24 =	sld [smem:$0x3FFE];
	[sflag:s5] =	ssyncadd.remote.s32 @!p0 $0x1  }
0xb4: {  	s26 =	simm.s32 $execute0_lowered;
	[smem:$0x3FD2] =	sst s25  }
0xb5: {  	s6 =	sshll.u32 s26, $0x1;
	_ =	strace $0x80000049;
	[dreg:$0x1] =	wrdreg $0xFFFFFFFF  }
0xb6: {  	s28 =	simm.s32 $_size_execute0_lowered;
	s4 =	sadd.s32 s4, s6;
	[dreg:$0x0] =	wrdreg $0x0  }
0xb7: {  	s6 =	sshll.u32 s28, $0x1;
	[dreg:$0x2] =	wrdreg s4  }
0xb8: {  	[dreg:$0x3] =	wrdreg s6  }
0xb9: {  	[dreg:$0x4] =	wrdreg $0xC0  }
0xba: {  	_ =	task [dreg:s22], $0x5FFFF  }
0xbb: {  	[dreg:$0x1] =	wrdreg $0xFFFFFFFF  }
0xbc: {  	[dreg:$0x0] =	wrdreg $0x60  }
0xbd: {  	[dreg:$0x2] =	wrdreg s18  }
0xbe: {  	[dreg:$0x3] =	wrdreg s24  }
0xbf: {  	[dreg:$0x4] =	wrdreg $0x54000  }
0xc0: {  	[dreg:$0x5] =	wrdreg $0xA  }
0xc1: {  	_ =	task.clear_ibuf [dreg:s22], $0x6FFFF;
	_ =	strace $0x90000049  }
0xc2: {  	s29 =	simm.s32 $0xA;
	_ =	strace $0x8000004B  }
0xc3: {  	_ =	swait.ge [sflag:s29], $0x1  }
0xc4: {  	[sflag:s29] =	ssyncadd.s32 $0xFFFFFFFF  }
0xc5: {  	_ =	strace $0x9000004B  }
0xc6: {  	_ =	sfence  }
0xc7: {  	s30 =	sld [smem:$0x0];
	_ =	sdelay $0x2  }
0xc8: {  	s31 =	sshll.u32 s1, $0xD;
	s1 =	sshrl.u32 s1, $0x2  }
0xc9: {  	s4 =	sand.u32 $0x4000, s31;
	s1 =	sadd.s32 s1, s30  }
0xca: {  	s0 =	sor.u32 s4, s0;
	s1 =	sshll.u32 s1, $0x11  }
0xcb: {  	s0 =	sor.u32 s1, s0  }
0xcc: {  	s0 =	sadd.s32 $0x8F2B, s0  }
0xcd: {  	[sflag:s0] =	ssyncadd.remote.s32 $0x1  }
0xce: {  	_ =	sfence.sel $0xFFFF  }
0xcf: {  	[dreg:$0x0] =	wrdreg $0xFFFFFFFF;
	(pc) =	sbr.abs _section_cstart, $3  }
0xd0: {  	[dreg:$0x1] =	wrdreg $0xFFFFFFFF  }
0xd1: {  	_ =	task.clear_ibuf [dreg:s22], $0x2FFFF;
	_ =	strace $0x9FFFFFFF  }
0xd2: {  	(tm) =	ssettm $0x7FFFFFFF  }
0xd3: {  	_ =	shalt  }
tec
execute0_lowered:
.L_overlay_start_1:
0x0: {  	(tag) =	ssettag $0x1  }
0x1: {  	s0 =	rddreg [dreg:$0x0];
	s1 =	srdreg.scid  }
0x2: {  	s17 =	stileid.u32;
	s4 =	rddreg [dreg:$0x1]  }
0x3: {  	s2 =	rddreg [dreg:$0x2];
	s3 =	simm.s32 $0x0;
	s18 =	simm.s32 $0x1  }
0x4: {  	s19 =	simm.s32 $0x5000;
	s20 =	simm.s32 $0x2;
	s5 =	smul.u32 $0x288, s17  }
0x5: {  	s28 =	simm.s32 $0x5280;
	s29 =	simm.s32 $0x5300;
	s21 =	smul.u32 $0x51000, s17  }
0x6: {  	s30 =	simm.s32 $0x5380;
	s31 =	simm.s32 $0x0;
	s10 =	smul.u32 $0x280, s17  }
0x7: {  	s1 =	sand.u32 $0x1, s1;
	[smem:$0x7FF] =	sst s3;
	s17 =	smul.u32 $0x2800, s17  }
0x8: {  	s7 =	sadd.s32 $0x24200, s4;
	s6 =	smul.u32 $0x2880, s1;
	_ =	strace $0x8000004A  }
0x9: {  	[dreg:$0x4] =	wrdreg s7;
	s8 =	ssub.s32 $0x2, s1;
	s9 =	smul.u32 $0x27100, s1  }
0xa: {  	s1 =	smul.u32 $0x271000, s1;
	s23 =	sshrl.u32 s21, $0x2;
	s24 =	sshrl.u32 s8, $0x1  }
0xb: {  	s21 =	simm.s32 $0x50;
	s5 =	sadd.s32 s5, s6;
	s15 =	ssub.s32 s8, s24  }
0xc: {  	s11 =	sadd.s32 s10, s9;
	s1 =	sadd.s32 s1, s0;
	s24 =	simm.s32 $0x5100  }
0xd: {  	s22 =	sshll.u32 s5, $0x4;
	s5 =	sadd.s32 s23, s2;
	s16 =	smulhi.u32 $0x666667, s11  }
0xe: {  	s15 =	smax.u32 s15, $0x1;
	s17 =	sadd.s32 s17, s1;
	s23 =	simm.s32 $0x2800  }
0xf: {  	s14 =	sadd.s32 s22, s4;
	s6 =	sadd.s32 $0x5000, s5;
	s7 =	sadd.s32 $0xA000, s5  }
.Ltmp0:
0x10: {  	s8 =	sadd.s32 $0xF000, s5;
	s9 =	sadd.s32 $0x14000, s5;
	(pc) =	sbr.rel .LBB2_1-.Ltmp0, $4  }
0x11: {  	s22 =	simm.s32 $0x5080;
	s25 =	sadd.s32 $0x24C00, s14;
	s26 =	sadd.s32 $0x25600, s14  }
0x12: {  	s12 =	sadd.s32 $0x26000, s14;
	s13 =	sadd.s32 $0x26A00, s14;
	[dreg:$0x5] =	wrdreg s25  }
0x13: {  	s14 =	sadd.s32 $0x27400, s14;
	s16 =	sshll.u32 s16, $0x7;
	[dreg:$0x6] =	wrdreg s26  }
0x14: {  	s0 =	sadd.s32 s16, s4;
	s25 =	simm.s32 $0x5180;
	s26 =	simm.s32 $0x5200  }
.LBB2_5:
0x15: {  	[bflag:$0x0] =	sbarrier.arrive $0xFFFF  }
0x16: {  	[tilespmem:s3], [sflag:$0x1] =	stream.linear.gather [spmem:s5], $0x5000, $0x38;
	[tilespmem:$0x19800] =	vst v63  }
0x17: {  	_ =	swait.ge [sflag:s18], $0x5000  }
0x18: {  	[sflag:s18] =	ssyncset.done $0x0  }
0x19: {  	s1 =	rddreg [dreg:$0x5];
	[sflag:s18] =	ssyncadd.s32 $0xFFFFB000  }
0x1a: {  	[hbm4b:s1+s3] =	stream.linear.scatter [tilespmem:s3], [sflag:$0x1], $0x5000, $0x38;
	[tilespmem:$0x19800] =	vst v63  }
0x1b: {  	_ =	swait.ge [sflag:s18], $0x5000  }
0x1c: {  	[sflag:s18] =	ssyncset.done $0x0  }
0x1d: {  	[sflag:s18] =	ssyncadd.s32 $0xFFFFB000  }
0x1e: {  	[tilespmem:s3], [sflag:$0x1] =	stream.linear.gather [spmem:s6], $0x5000, $0x38;
	[tilespmem:$0x19800] =	vst v63  }
0x1f: {  	_ =	swait.ge [sflag:s18], $0x5000  }
0x20: {  	[sflag:s18] =	ssyncset.done $0x0  }
0x21: {  	s16 =	rddreg [dreg:$0x6];
	[sflag:s18] =	ssyncadd.s32 $0xFFFFB000  }
0x22: {  	[hbm4b:s16+s3] =	stream.linear.scatter [tilespmem:s3], [sflag:$0x1], $0x5000, $0x38;
	[tilespmem:$0x19800] =	vst v63  }
0x23: {  	_ =	swait.ge [sflag:s18], $0x5000  }
0x24: {  	[sflag:s18] =	ssyncset.done $0x0  }
0x25: {  	[sflag:s18] =	ssyncadd.s32 $0xFFFFB000  }
0x26: {  	[tilespmem:s3], [sflag:$0x1] =	stream.linear.gather [spmem:s7], $0x5000, $0x38;
	[tilespmem:$0x19800] =	vst v63  }
0x27: {  	_ =	swait.ge [sflag:s18], $0x5000  }
0x28: {  	[sflag:s18] =	ssyncset.done $0x0  }
0x29: {  	[sflag:s18] =	ssyncadd.s32 $0xFFFFB000  }
0x2a: {  	[hbm4b:s12+s3] =	stream.linear.scatter [tilespmem:s3], [sflag:$0x1], $0x5000, $0x38;
	[tilespmem:$0x19800] =	vst v63  }
0x2b: {  	_ =	swait.ge [sflag:s18], $0x5000  }
0x2c: {  	[sflag:s18] =	ssyncset.done $0x0  }
0x2d: {  	[sflag:s18] =	ssyncadd.s32 $0xFFFFB000  }
0x2e: {  	[tilespmem:s3], [sflag:$0x1] =	stream.linear.gather [spmem:s8], $0x5000, $0x38;
	[tilespmem:$0x19800] =	vst v63  }
0x2f: {  	_ =	swait.ge [sflag:s18], $0x5000  }
0x30: {  	[sflag:s18] =	ssyncset.done $0x0  }
0x31: {  	[sflag:s18] =	ssyncadd.s32 $0xFFFFB000  }
0x32: {  	[hbm4b:s13+s3] =	stream.linear.scatter [tilespmem:s3], [sflag:$0x1], $0x5000, $0x38;
	[tilespmem:$0x19800] =	vst v63  }
0x33: {  	_ =	swait.ge [sflag:s18], $0x5000  }
0x34: {  	[sflag:s18] =	ssyncset.done $0x0  }
0x35: {  	[sflag:s18] =	ssyncadd.s32 $0xFFFFB000  }
0x36: {  	[tilespmem:s3], [sflag:$0x1] =	stream.linear.gather [spmem:s9], $0x400, $0x38;
	[tilespmem:$0x19800] =	vst v63  }
0x37: {  	s31 =	sadd.s32 $0x1, s31;
	_ =	swait.ge [sflag:s18], $0x400  }
0x38: {  	p0 =	sne.s32 s31, s15;
	[sflag:s18] =	ssyncset.done $0x0  }
.Ltmp1:
0x39: {  	[sflag:s18] =	ssyncadd.s32 $0xFFFFFC00;
	(pc) =	sbr.rel @!p0 .LBB2_6-.Ltmp1, $4  }
0x3a: {  	[hbm4b:s14+s3] =	stream.linear.scatter [tilespmem:s3], [sflag:$0x1], $0x400, $0x38;
	[tilespmem:$0x19800] =	vst v63  }
0x3b: {  	_ =	swait.ge [sflag:s18], $0x400  }
0x3c: {  	[sflag:s18] =	ssyncset.done $0x0  }
0x3d: {  	[sflag:s18] =	ssyncadd.s32 $0xFFFFFC00  }
.LBB2_1:
0x3e: {  	s1 =	rddreg [dreg:$0x4]  }
0x3f: {  	[tilespmem:s3], [sflag:$0x1] =	stream.linear.gather [hbm4b:s1+s3], $0x5000, $0x38;
	[tilespmem:$0x19800] =	vst v63  }
0x40: {  	_ =	swait.ge [sflag:s18], $0x5000  }
0x41: {  	[sflag:s18] =	ssyncset.done $0x0  }
0x42: {  	[sflag:s18] =	ssyncadd.s32 $0xFFFFB000  }
0x43: {  	[spmem:s5] =	stream.linear.scatter [tilespmem:s3], [sflag:$0x1], $0x5000, $0x38;
	[tilespmem:$0x19800] =	vst v63  }
0x44: {  	_ =	swait.ge [sflag:s18], $0x5000  }
0x45: {  	[sflag:s18] =	ssyncset.done $0x0  }
0x46: {  	[sflag:s18] =	ssyncadd.s32 $0xFFFFB000  }
0x47: {  	[spmem:s6] =	stream.linear.scatter [tilespmem:s3], [sflag:$0x1], $0x5000, $0x38;
	[tilespmem:$0x19800] =	vst v63  }
0x48: {  	_ =	swait.ge [sflag:s18], $0x5000  }
0x49: {  	[sflag:s18] =	ssyncset.done $0x0  }
0x4a: {  	[sflag:s18] =	ssyncadd.s32 $0xFFFFB000  }
0x4b: {  	[spmem:s7] =	stream.linear.scatter [tilespmem:s3], [sflag:$0x1], $0x5000, $0x38;
	[tilespmem:$0x19800] =	vst v63  }
0x4c: {  	_ =	swait.ge [sflag:s18], $0x5000  }
0x4d: {  	[sflag:s18] =	ssyncset.done $0x0  }
0x4e: {  	[sflag:s18] =	ssyncadd.s32 $0xFFFFB000  }
0x4f: {  	[spmem:s8] =	stream.linear.scatter [tilespmem:s3], [sflag:$0x1], $0x5000, $0x38;
	[tilespmem:$0x19800] =	vst v63  }
0x50: {  	_ =	swait.ge [sflag:s18], $0x5000  }
0x51: {  	[sflag:s18] =	ssyncset.done $0x0  }
0x52: {  	[sflag:s18] =	ssyncadd.s32 $0xFFFFB000  }
0x53: {  	[spmem:s9] =	stream.linear.scatter [tilespmem:s3], [sflag:$0x1], $0x400, $0x38;
	[tilespmem:$0x19800] =	vst v63  }
.Ltmp2:
0x54: {  	_ =	swait.ge [sflag:s18], $0x400;
	(pc) =	sbr.rel .LBB2_2-.Ltmp2, $4  }
0x55: {  	[sflag:s18] =	ssyncset.done $0x0  }
0x56: {  	[sflag:s18] =	ssyncadd.s32 $0xFFFFFC00  }
0x57: {  	[bflag:$0x0] =	sbarrier.arrive $0xFFFF  }
0x58: {  	s16 =	smov.u32 s0;
	s4 =	simm.s32 $0x0;
	s1 =	stileid.u32  }
.LBB2_4:
0x59: {  	s4 =	sadd.s32 $0x28000, s4  }
0x5a: {  	p0 =	sne.s32 s4, $0x280000  }
.Ltmp3:
0x5b: {  	_ = 	snop;
	(pc) =	sbr.rel @!p0 .LBB2_5-.Ltmp3, $2  }
0x5c: {  	_ =	sdelay $0x2  }
0x5d: {  	s16 =	sadd.s32 $0x800, s16;
	s1 =	sadd.s32 $0x10, s1  }
.LBB2_2:
0x5e: {  	p0 =	sgt.u32 s1, $0xF9  }
.Ltmp4:
0x5f: {  	_ = 	snop;
	(pc) =	sbr.rel @p0 .LBB2_4-.Ltmp4, $1  }
0x60: {  	_ =	sdelay $0x3  }
0x61: {  	[tilespmem:s19], [sflag:$0x2] =	stream.linear.gather [hbm4b:s16+s3], $0x400, $0x38;
	[tilespmem:$0x19800] =	vst v63  }
0x62: {  	_ =	swait.ge [sflag:s20], $0x400  }
0x63: {  	[sflag:s20] =	ssyncset.done $0x0  }
0x64: {  	s10 =	sadd.s32 s4, s17;
	[sflag:s20] =	ssyncadd.s32 $0xFFFFFC00  }
0x65: {  	[tilespmem:s3], [sflag:$0x2] =	stream.linear.gather [hbm4b:s10+s3], $0x5000, $0x38;
	[tilespmem:$0x19800] =	vst v63  }
0x66: {  	_ =	swait.ge [sflag:s20], $0x5000  }
0x67: {  	[sflag:s20] =	ssyncset.done $0x0  }
0x68: {  	[sflag:s20] =	ssyncadd.s32 $0xFFFFB000  }
0x69: {  	[spmem:s2] =	stream.indirect.scatter.add.f32 [tilespmem:s3], [sflag:$0x2], $0x80, s19, s21, $0xb8;
	[tilespmem:$0x19800] =	vst v63  }
0x6a: {  	_ =	swait.ge [sflag:s20], $0x2800  }
0x6b: {  	[sflag:s20] =	ssyncset.done $0x0  }
0x6c: {  	[sflag:s20] =	ssyncadd.s32 $0xFFFFD800  }
0x6d: {  	[spmem:s2] =	stream.indirect.scatter.add.f32 [tilespmem:s23], [sflag:$0x2], $0x80, s22, s21, $0xb8;
	[tilespmem:$0x19800] =	vst v63  }
0x6e: {  	_ =	swait.ge [sflag:s20], $0x2800  }
0x6f: {  	[sflag:s20] =	ssyncset.done $0x0  }
0x70: {  	s11 =	sadd.s32 $0xA00, s10;
	[sflag:s20] =	ssyncadd.s32 $0xFFFFD800  }
0x71: {  	[tilespmem:s3], [sflag:$0x2] =	stream.linear.gather [hbm4b:s11+s3], $0x5000, $0x38;
	[tilespmem:$0x19800] =	vst v63  }
0x72: {  	_ =	swait.ge [sflag:s20], $0x5000  }
0x73: {  	[sflag:s20] =	ssyncset.done $0x0  }
0x74: {  	[sflag:s20] =	ssyncadd.s32 $0xFFFFB000  }
0x75: {  	[spmem:s2] =	stream.indirect.scatter.add.f32 [tilespmem:s3], [sflag:$0x2], $0x80, s24, s21, $0xb8;
	[tilespmem:$0x19800] =	vst v63  }
0x76: {  	_ =	swait.ge [sflag:s20], $0x2800  }
0x77: {  	[sflag:s20] =	ssyncset.done $0x0  }
0x78: {  	[sflag:s20] =	ssyncadd.s32 $0xFFFFD800  }
0x79: {  	[spmem:s2] =	stream.indirect.scatter.add.f32 [tilespmem:s23], [sflag:$0x2], $0x80, s25, s21, $0xb8;
	[tilespmem:$0x19800] =	vst v63  }
0x7a: {  	_ =	swait.ge [sflag:s20], $0x2800  }
0x7b: {  	[sflag:s20] =	ssyncset.done $0x0  }
0x7c: {  	s11 =	sadd.s32 $0x1400, s10;
	[sflag:s20] =	ssyncadd.s32 $0xFFFFD800  }
0x7d: {  	[tilespmem:s3], [sflag:$0x2] =	stream.linear.gather [hbm4b:s11+s3], $0x5000, $0x38;
	[tilespmem:$0x19800] =	vst v63  }
0x7e: {  	_ =	swait.ge [sflag:s20], $0x5000  }
0x7f: {  	[sflag:s20] =	ssyncset.done $0x0  }
0x80: {  	[sflag:s20] =	ssyncadd.s32 $0xFFFFB000  }
0x81: {  	[spmem:s2] =	stream.indirect.scatter.add.f32 [tilespmem:s3], [sflag:$0x2], $0x80, s26, s21, $0xb8;
	[tilespmem:$0x19800] =	vst v63  }
0x82: {  	_ =	swait.ge [sflag:s20], $0x2800  }
0x83: {  	[sflag:s20] =	ssyncset.done $0x0  }
0x84: {  	[sflag:s20] =	ssyncadd.s32 $0xFFFFD800  }
0x85: {  	[spmem:s2] =	stream.indirect.scatter.add.f32 [tilespmem:s23], [sflag:$0x2], $0x80, s28, s21, $0xb8;
	[tilespmem:$0x19800] =	vst v63  }
0x86: {  	_ =	swait.ge [sflag:s20], $0x2800  }
0x87: {  	[sflag:s20] =	ssyncset.done $0x0  }
0x88: {  	s10 =	sadd.s32 $0x1E00, s10;
	[sflag:s20] =	ssyncadd.s32 $0xFFFFD800  }
0x89: {  	[tilespmem:s3], [sflag:$0x2] =	stream.linear.gather [hbm4b:s10+s3], $0x5000, $0x38;
	[tilespmem:$0x19800] =	vst v63  }
0x8a: {  	_ =	swait.ge [sflag:s20], $0x5000  }
0x8b: {  	[sflag:s20] =	ssyncset.done $0x0  }
0x8c: {  	[sflag:s20] =	ssyncadd.s32 $0xFFFFB000  }
0x8d: {  	[spmem:s2] =	stream.indirect.scatter.add.f32 [tilespmem:s3], [sflag:$0x2], $0x80, s29, s21, $0xb8;
	[tilespmem:$0x19800] =	vst v63  }
0x8e: {  	_ =	swait.ge [sflag:s20], $0x2800  }
0x8f: {  	[sflag:s20] =	ssyncset.done $0x0  }
.Ltmp5:
0x90: {  	[sflag:s20] =	ssyncadd.s32 $0xFFFFD800;
	(pc) =	sbr.rel .LBB2_4-.Ltmp5, $4  }
0x91: {  	[spmem:s2] =	stream.indirect.scatter.add.f32 [tilespmem:s23], [sflag:$0x1], $0x80, s30, s21, $0xb8;
	[tilespmem:$0x19800] =	vst v63  }
0x92: {  	_ =	swait.ge [sflag:s18], $0x2800  }
0x93: {  	[sflag:s18] =	ssyncset.done $0x0  }
0x94: {  	[sflag:s18] =	ssyncadd.s32 $0xFFFFD800  }
.LBB2_6:
0x95: {  	_ =	sfence.sel $0x180000  }
0x96: {  	[bflag:$0x0] =	sbarrier.arrive $0xFFFF  }
0x97: {  	_ =	strace $0x9000004A  }
0x98: {  	s0 =	stileid.u32;
	[bflag:$0x2] =	sbarrier.arrive $0xFFFF  }
0x99: {  	p0 =	sne.s32 s0, $0x0;
	s0 =	rddreg [dreg:$0x3]  }
0x9a: {  	s0 =	sadd.s32 @!p0 $0x100000, s0  }
0x9b: {  	[sflag:s0] =	ssyncadd.tile.s32 @!p0 $0x1;
	_ =	shalt  }
.Lfunc_end2:
_tile_overlayer_lowered:
.L_overlay_start_2:
0x9c: {  	(tag) =	ssettag $0x2  }
0x9d: {  	s0 =	rddreg [dreg:$0x0];
	s2 =	stileid.u32  }
0x9e: {  	s1 =	rddreg [dreg:$0x1];
	p0 =	sne.s32 s2, $0x0  }
0x9f: {  	s3 =	rddreg [dreg:$0x2];
	[bflag:$0x3] =	sbarrier.arrive $0xFFFF;
	s2 =	simm.s32 @!p0 $0x1C01  }
0xa0: {  	[timem:s3], [sflag:s2] =	dma.local @!p0 [hbm:s0], s1  }
0xa1: {  	s0 =	simm.s32 @!p0 $0x1  }
0xa2: {  	_ =	swait.ge @!p0 [sflag:s0], s1  }
0xa3: {  	s1 =	ssub.s32 @!p0 $0x0, s1;
	[sflag:s0] =	ssyncset.done @!p0 $0x0  }
0xa4: {  	[sflag:s0] =	ssyncadd.s32 @!p0 s1  }
0xa5: {  	[bflag:$0x3] =	sbarrier.arrive $0xFFFF  }
0xa6: {  	_ =	shalt  }

// kernel: scatter_offload_async_start
scs
__scs_entry_jumppad:
0x0: {  	(pc) =	sbr.rel $0x88, $3  }
0x1: {  	(tag) =	ssettag $0x0;
	lr =	simm.s32 $0x1  }
0x2: {  	[smem:$0x3F9F] =	sst lr;
	_ =	strace $0xD0000000  }
0x3: {  	_ = 	snop  }
0x4: {  	_ = 	snop  }
0x5: {  	_ = 	snop  }
0x6: {  	_ = 	snop  }
0x7: {  	_ = 	snop  }
__scs_overlays_trampoline_lowered:
0x8: {  	[smem:$0x3FAE] =	sst s0  }
0x9: {  	[smem:$0x3FAF] =	sst s1  }
0xa: {  	[smem:$0x3FB0] =	sst s2  }
0xb: {  	[smem:$0x3FB1] =	sst s3  }
0xc: {  	[smem:$0x3FB2] =	sst s4  }
0xd: {  	[smem:$0x3FB3] =	sst s5  }
0xe: {  	[smem:$0x3FB4] =	sst s6  }
0xf: {  	[smem:$0x3FB5] =	sst s7  }
0x10: {  	[smem:$0x3FB6] =	sst s8  }
0x11: {  	[smem:$0x3FB7] =	sst s9;
	s0 =	simm.s32 @!p0 $0x0  }
0x12: {  	s1 =	sld [smem:$0x3F9D];
	s0 =	simm.s32 @p0 $0x1  }
0x13: {  	[smem:$0x3FB8] =	sst s0;
	s0 =	simm.s32 @!p1 $0x0  }
0x14: {  	s2 =	sld [smem:$0x3F9C];
	s0 =	simm.s32 @p1 $0x1  }
0x15: {  	[smem:$0x3FB9] =	sst s0;
	s0 =	simm.s32 @!p2 $0x0  }
0x16: {  	s3 =	sld [smem:$0x3FDB];
	s0 =	simm.s32 @p2 $0x1  }
0x17: {  	s4 =	simm.s32 $0x1BF5;
	[smem:$0x3FBB] =	sst s0  }
0x18: {  	s0 =	sld [smem:$0x3F9E];
	_ =	swait.ge [sflag:s4], $0x0  }
0x19: {  	s7 =	sld [smem:$0x3F9F]  }
0x1a: {  	s8 =	sadd.s32 $0xFFFFE003, lr  }
0x1b: {  	s9 =	sadd.s32 $0xFFFFFEF7, lr;
	s5 =	simm.s32 $0xFFFFFFFF;
	p2 =	slt.u32 s8, $0xFFFFF086  }
0x1c: {  	p1 =	slt.u32 s9, $0xF7A;
	s5 =	simm.s32 @!p2 $0x0  }
0x1d: {  	s5 =	simm.s32 @p1 $0x1;
	p0 =	seq.s32 s7, s2  }
0x1e: {  	s7 =	smul.u32 @!p0 $0xF7A, s2;
	p2 =	seq.s32 @!p0 s5, $0x0  }
0x1f: {  	s9 =	smul.u32 $0xF7A, s1;
	s8 =	simm.s32 @!p0 $0x1BF5;
	p2 =	por !p2, p0  }
0x20: {  	[sflag:s8] =	ssyncset.s32 @!p0 $0xFFFFF086;
	s6 =	sadd.s32 @!p0 s3, s7;
	s7 =	simm.s32 @!p0 $0x108  }
0x21: {  	s3 =	sadd.s32 s3, s9;
	s6 =	sadd.s32 @!p0 $0x88, s6;
	s7 =	simm.s32 @p2 $0x1082  }
0x22: {  	[simem:s7], [sflag:s8] =	dma.local @!p0 [hbm:s6], $0xF7A  }
0x23: {  	s9 =	sor.u32 $0xD0000000, s2;
	s6 =	simm.s32 $0x108;
	_ =	swait.ge @!p0 [sflag:s8], $0x0  }
0x24: {  	s3 =	sadd.s32 $0x88, s3;
	s6 =	simm.s32 @!p1 $0x1082;
	[sflag:s4] =	ssyncset.s32 $0xFFFFF086  }
0x25: {  	[simem:s6], [sflag:s4] =	dma.local [hbm:s3], $0xF7A  }
0x26: {  	[smem:$0x3F9F] =	sst s1;
	(tag) =	ssettag s2;
	_ =	strace s9  }
0x27: {  	s1 =	sld [smem:$0x3FAF]  }
0x28: {  	s2 =	sld [smem:$0x3FB0]  }
0x29: {  	s4 =	sld [smem:$0x3FB2]  }
0x2a: {  	p0 =	seq.s32 s5, $0x0;
	s5 =	sld [smem:$0x3FB3]  }
0x2b: {  	s6 =	sld [smem:$0x3FB4]  }
0x2c: {  	s7 =	sld [smem:$0x3FB5]  }
0x2d: {  	s3 =	simm.s32 $0x108;
	s8 =	sld [smem:$0x3FB6]  }
0x2e: {  	s3 =	simm.s32 @!p0 $0x1082;
	s9 =	sld [smem:$0x3FB7]  }
0x2f: {  	lr =	sadd.s32 s0, s3;
	s0 =	sld [smem:$0x3FAE]  }
0x30: {  	s3 =	sld [smem:$0x3FB1]  }
0x31: {  	[smem:$0x3FBA] =	sst s10  }
0x32: {  	s10 =	sld [smem:$0x3FB8];
	_ =	sdelay $0x3  }
0x33: {  	p0 =	seq.s32 s10, $0x1;
	s10 =	sld [smem:$0x3FBA];
	_ =	sdelay $0x3  }
0x34: {  	[smem:$0x3FBA] =	sst s10  }
0x35: {  	s10 =	sld [smem:$0x3FB9];
	_ =	sdelay $0x3  }
0x36: {  	p1 =	seq.s32 s10, $0x1;
	s10 =	sld [smem:$0x3FBA];
	_ =	sdelay $0x3  }
0x37: {  	[smem:$0x3FBA] =	sst s10  }
0x38: {  	s10 =	sld [smem:$0x3FBB]  }
0x39: {  	_ = 	snop;
	(pc) =	sbr.ind lr, $3  }
0x3a: {  	_ = 	snop  }
0x3b: {  	_ = 	snop  }
0x3c: {  	p2 =	seq.s32 s10, $0x1;
	s10 =	sld [smem:$0x3FBA]  }
0x3d: {  	_ =	shalt  }
0x3e: {  	_ =	shalt  }
0x3f: {  	_ =	shalt  }
0x40: {  	_ =	shalt  }
0x41: {  	_ =	shalt  }
0x42: {  	_ =	shalt  }
0x43: {  	_ =	shalt  }
0x44: {  	_ =	shalt  }
0x45: {  	_ =	shalt  }
0x46: {  	_ =	shalt  }
0x47: {  	_ =	shalt  }
0x48: {  	_ =	shalt  }
0x49: {  	_ =	shalt  }
0x4a: {  	_ =	shalt  }
0x4b: {  	_ =	shalt  }
0x4c: {  	_ =	shalt  }
0x4d: {  	_ =	shalt  }
0x4e: {  	_ =	shalt  }
0x4f: {  	_ =	shalt  }
0x50: {  	_ =	shalt  }
0x51: {  	_ =	shalt  }
0x52: {  	_ =	shalt  }
0x53: {  	_ =	shalt  }
0x54: {  	_ =	shalt  }
0x55: {  	_ =	shalt  }
0x56: {  	_ =	shalt  }
0x57: {  	_ =	shalt  }
0x58: {  	_ =	shalt  }
0x59: {  	_ =	shalt  }
0x5a: {  	_ =	shalt  }
0x5b: {  	_ =	shalt  }
0x5c: {  	_ =	shalt  }
0x5d: {  	_ =	shalt  }
0x5e: {  	_ =	shalt  }
0x5f: {  	_ =	shalt  }
0x60: {  	_ =	shalt  }
0x61: {  	_ =	shalt  }
0x62: {  	_ =	shalt  }
0x63: {  	_ =	shalt  }
0x64: {  	_ =	shalt  }
0x65: {  	_ =	shalt  }
0x66: {  	_ =	shalt  }
0x67: {  	_ =	shalt  }
0x68: {  	_ =	shalt  }
0x69: {  	_ =	shalt  }
0x6a: {  	_ =	shalt  }
0x6b: {  	_ =	shalt  }
0x6c: {  	_ =	shalt  }
0x6d: {  	_ =	shalt  }
0x6e: {  	_ =	shalt  }
0x6f: {  	_ =	shalt  }
0x70: {  	_ =	shalt  }
0x71: {  	_ =	shalt  }
0x72: {  	_ =	shalt  }
0x73: {  	_ =	shalt  }
0x74: {  	_ =	shalt  }
0x75: {  	_ =	shalt  }
0x76: {  	_ =	shalt  }
0x77: {  	_ =	shalt  }
0x78: {  	_ =	shalt  }
0x79: {  	_ =	shalt  }
0x7a: {  	_ =	shalt  }
0x7b: {  	_ =	shalt  }
0x7c: {  	_ =	shalt  }
0x7d: {  	_ =	shalt  }
0x7e: {  	_ =	shalt  }
0x7f: {  	_ =	shalt  }
0x80: {  	_ =	shalt  }
0x81: {  	_ =	shalt  }
0x82: {  	_ =	shalt  }
0x83: {  	_ =	shalt  }
0x84: {  	_ =	shalt  }
0x85: {  	_ =	shalt  }
0x86: {  	_ =	shalt  }
0x87: {  	_ =	shalt  }
.Lfunc_end0:
.L_simem_size_0:
called_computation_lowered:
.L_overlay_start_0:
0x88: {  	s0 =	sld [smem:$0x3FD9]  }
0x89: {  	s1 =	sld [smem:$0x3FFE];
	_ =	sdelay $0x3  }
0x8a: {  	s0 =	sadd.s32 s1, s0  }
0x8b: {  	[smem:$0x3FC6] =	sst s0  }
0x8c: {  	_ = 	snop  }
0x8d: {  	(tm) =	ssettm $0x1  }
0x8e: {  	s15 =	sld [smem:$0x3FFB];
	_ =	sdelay $0x3  }
0x8f: {  	_ =	strace s15  }
0x90: {  	s0 =	sld [smem:$0x3FFC];
	_ =	sdelay $0x3  }
0x91: {  	_ =	strace s0  }
0x92: {  	s0 =	sld [smem:$0x3FFD];
	_ =	sdelay $0x3  }
0x93: {  	_ =	strace s0  }
0x94: {  	_ =	strace $0x8FFFFFFF  }
0x95: {  	s16 =	sld [smem:$0x3FDB];
	_ =	sdelay $0x1  }
0x96: {  	s17 =	simm.s32 $_scs_section_size  }
0x97: {  	s2 =	simm.s32 $_size__tile_overlayer_lowered;
	s3 =	simm.s32 $_tile_overlayer_lowered  }
0x98: {  	s20 =	simm.s32 $0x1BFF;
	s19 =	sshll.u32 s3, $0x1;
	s0 =	sadd.s32 s17, s16  }
0x99: {  	s4 =	simm.s32 $0x0;
	s18 =	sshll.u32 s2, $0x1;
	s2 =	sadd.s32 s19, s0  }
0x9a: {  	[timem:s4], [sflag:s20] =	dma.local [hbm:s2], s18  }
0x9b: {  	_ =	swait.ge [sflag:s20], s18  }
0x9c: {  	s1 =	ssub.s32 $0x0, s18;
	[sflag:s20] =	ssyncset.done $0x0  }
0x9d: {  	[sflag:s20] =	ssyncadd.s32 s1;
	_ =	sdelay $0x1  }
0x9e: {  	s21 =	simm.s32 $0x1B8B  }
0x9f: {  	_ =	swait.ge [sflag:s21], $0x1  }
0xa0: {  	[sflag:s21] =	ssyncset.done $0x0  }
0xa1: {  	s23 =	simm.s32 $0x1B8E;
	s22 =	sld [smem:$0x3FFE];
	[sflag:s21] =	ssyncadd.s32 $0xFFFFFFFF  }
0xa2: {  	s24 =	simm.s32 $execute0_lowered;
	[smem:$0x3FD2] =	sst s23  }
0xa3: {  	s2 =	sshll.u32 s24, $0x1;
	_ =	strace $0x80000046;
	[dreg:$0x1] =	wrdreg $0xFFFFFFFF  }
0xa4: {  	s25 =	simm.s32 $_size_execute0_lowered;
	s0 =	sadd.s32 s0, s2;
	[dreg:$0x0] =	wrdreg $0x0  }
0xa5: {  	s2 =	sshll.u32 s25, $0x1;
	[dreg:$0x2] =	wrdreg s0  }
0xa6: {  	[dreg:$0x3] =	wrdreg s2  }
0xa7: {  	[dreg:$0x4] =	wrdreg $0xC0  }
0xa8: {  	_ =	task [dreg:s4], $0x5FFFF  }
0xa9: {  	[dreg:$0x1] =	wrdreg $0xFFFFFFFF  }
0xaa: {  	[dreg:$0x0] =	wrdreg $0x60  }
0xab: {  	[dreg:$0x2] =	wrdreg s22  }
0xac: {  	[dreg:$0x3] =	wrdreg $0x9  }
0xad: {  	_ =	task.clear_ibuf [dreg:s4], $0x4FFFF;
	_ =	strace $0x90000046  }
0xae: {  	s26 =	simm.s32 $0x9;
	_ =	strace $0x80000048  }
0xaf: {  	_ =	swait.ge [sflag:s26], $0x1  }
0xb0: {  	[sflag:s26] =	ssyncadd.s32 $0xFFFFFFFF  }
0xb1: {  	_ =	strace $0x90000048  }
0xb2: {  	_ =	sfence  }
0xb3: {  	s28 =	sld [smem:$0x0];
	_ =	sdelay $0x1  }
0xb4: {  	s29 =	srdreg.scid  }
0xb5: {  	s30 =	sshll.u32 s29, $0xD;
	s31 =	sshrl.u32 s29, $0x2  }
0xb6: {  	s1 =	sand.u32 $0x1, s29;
	s2 =	sand.u32 $0x4000, s30;
	s0 =	sadd.s32 s31, s28  }
0xb7: {  	s1 =	sor.u32 s2, s1;
	s0 =	sshll.u32 s0, $0x11  }
0xb8: {  	s0 =	sor.u32 s0, s1  }
0xb9: {  	s0 =	sadd.s32 $0x8F2B, s0  }
0xba: {  	[sflag:s0] =	ssyncadd.remote.s32 $0x1  }
0xbb: {  	_ =	sfence.sel $0xFFFF  }
0xbc: {  	[dreg:$0x0] =	wrdreg $0xFFFFFFFF;
	(pc) =	sbr.abs _section_cstart, $3  }
0xbd: {  	[dreg:$0x1] =	wrdreg $0xFFFFFFFF  }
0xbe: {  	_ =	task.clear_ibuf [dreg:s4], $0x2FFFF;
	_ =	strace $0x9FFFFFFF  }
0xbf: {  	(tm) =	ssettm $0x7FFFFFFF  }
tec
execute0_lowered:
.L_overlay_start_1:
0x0: {  	(tag) =	ssettag $0x1  }
0x1: {  	s0 =	rddreg [dreg:$0x0];
	_ =	strace $0x80000047;
	s15 =	stileid.u32  }
0x2: {  	s2 =	simm.s32 $0x1;
	s1 =	smin.u32 s15, $0x8;
	s3 =	sshll.u32 s15, $0x1  }
0x3: {  	v1 =	vimm.s32 $0xFFFFFFFF;
	[sflag:s2] =	ssyncpa.u1 $0x0;
	s1 =	sadd.s32 s1, s3  }
0x4: {  	p0 =	slt.u32 s15, $0x8;
	[tilespmem:$0x10] =	vst v1;
	s4 =	smul.u32 $0x1F40, s1;
	s1 =	simm.s32 $0x5DC0  }
0x5: {  	v0 =	vimm.f32 $0.0e+00;
	[tilespmem:$0x20] =	vst v1;
	s1 =	simm.s32 @!p0 $0x3E80  }
0x6: {  	[tilespmem:$0x30] =	vst v0;
	s1 =	sadd.s32 s1, s4  }
0x7: {  	[tilespmem:$0x40] =	vst v0;
	s5 =	smin.u32 s1, $0x4E200  }
0x8: {  	s7 =	simm.s32 $0x2;
	s8 =	simm.s32 $0x8;
	[tilespmem:$0x50] =	vst v0;
	s9 =	ssub.s32 s5, s4  }
0x9: {  	s31 =	simm.s32 $0x9;
	s16 =	simm.s32 $0x0;
	[tilespmem:$0x60] =	vst v1;
	p0 =	sgt.s32 s9, $0x0  }
0xa: {  	s17 =	simm.s32 $0xF0;
	s18 =	simm.s32 $0xFFFFFFFF;
	[tilespmem:$0x70] =	vst v1;
	s9 =	simm.s32 @!p0 $0x0  }
0xb: {  	s19 =	simm.s32 $0xFFFFC280;
	s20 =	simm.s32 $0xFFFFFFFE;
	[tilespmem:$0x80] =	vst v1;
	s30 =	smulhi.u32 $0x10624DD3, s9  }
0xc: {  	s21 =	simm.s32 $0xF;
	s25 =	simm.s32 $0x0;
	s24 =	simm.s32 $0x0;
	v1 =	vimm.s32 $0x0;
	[tilespmem:$0xB0] =	vst v0  }
0xd: {  	s6 =	sadd.s32 $0xFA00, s0;
	s15 =	sshllo.u32 s15, $0x1;
	[tilespmem:$0x90] =	vst v1;
	s10 =	sshrl.u32 s30, $0x9  }
0xe: {  	[tilespmem:$0xA0] =	vst v1;
	[sflag:s7] =	ssyncpa.u1 $0x0;
	s7 =	simm.s32 $0x7;
	s11 =	smul.u32 $0x1F40, s10  }
.Ltmp0:
0xf: {  	s13 =	sor.u32 $0x80, s3;
	[sflag:s7] =	ssyncpa.u1 $0x0;
	(pc) =	sbr.rel .LBB2_1-.Ltmp0, $4  }
0x10: {  	s14 =	sor.u32 $0x81, s3;
	[sflag:s8] =	ssyncpa.u1 $0x0;
	p0 =	sne.s32 s9, s11  }
0x11: {  	s23 =	smov.u32 s4;
	s1 =	sadd.s32 $0x23600, s0;
	s2 =	simm.s32 @!p0 $0x0  }
0x12: {  	vm0 =	vmmov $0xffff;
	v2 =	vlaneseq.u32;
	[sflag:s31] =	ssyncpa.u1 $0x0;
	s9 =	sadd.s32 $0x19800, s0;
	s10 =	sadd.s32 s2, s10  }
0x13: {  	vm1 =	vmxor vm1, vm1;
	vm2 =	vmmov $0x1;
	vm3 =	vcmask $0x3F3C;
	p0 =	por $0x0, $0x0;
	s11 =	sadd.s32 $0x1, s10;
	s12 =	sadd.s32 $0x2, s10  }
.LBB2_9:
0x14: {  	p1 =	slt.u32 s24, $0x3  }
0x15: {  	s0 =	simm.s32 @!p1 $0x2  }
0x16: {  	_ =	swait.ge @!p1 [sflag:s0], $0x1F40  }
0x17: {  	[sflag:s0] =	ssyncset.done @!p1 $0x0  }
0x18: {  	[sflag:s0] =	ssyncadd.s32 @!p1 $0xFFFFE0C0;
	s0 =	simm.s32 @!p1 $0x9  }
0x19: {  	_ =	swait.ge @!p1 [sflag:s0], $0x10  }
0x1a: {  	[sflag:s0] =	ssyncset.done @!p1 $0x0  }
0x1b: {  	[sflag:s0] =	ssyncadd.s32 @!p1 $0xFFFFFFF0;
	p1 =	sne.s32 s24, s12  }
.Ltmp1:
0x1c: {  	s2 =	sadd.s32 $0x1F40, s23;
	(pc) =	sbr.rel @!p1 .LBB2_10-.Ltmp1, $4  }
0x1d: {  	s22 =	smov.u32 s4;
	s31 =	sadd.s32 $0x1, s24;
	s17 =	sadd.s32 $0x1F40, s17  }
0x1e: {  	s18 =	sadd.s32 $0x1, s18;
	s25 =	smov.u32 s23;
	p2 =	slt.s32 s2, s5  }
0x1f: {  	p0 =	por !p0, !p0;
	s19 =	sadd.s32 $0x1F40, s19;
	s22 =	smov.u32 @p2 s2  }
0x20: {  	s20 =	sadd.s32 $0x1, s20;
	s23 =	smov.u32 s22;
	s24 =	smov.u32 s31  }
.LBB2_1:
0x21: {  	p1 =	sge.u32 s24, s10  }
0x22: {  	s0 =	smulhi.u32 @!p1 $0xAAAAAAAB, s24;
	_ =	sdelay $0x1  }
0x23: {  	s0 =	sshrl.u32 @!p1 s0, $0x1  }
0x24: {  	s0 =	smul.u32 @!p1 $0x3, s0;
	_ =	sdelay $0x1  }
0x25: {  	s0 =	ssub.s32 @!p1 s24, s0  }
0x26: {  	s0 =	smul.u32 @!p1 $0x7D00, s0;
	_ =	sdelay $0x1  }
0x27: {  	s2 =	sshrl.u32 @!p1 s23, $0x3;
	s0 =	sshrl.u32 @!p1 s0, $0x2  }
0x28: {  	s22 =	sand.u32 @!p1 $0x7, s23;
	s2 =	sadd.s32 @!p1 s6, s2;
	s0 =	sadd.s32 @!p1 $0x100, s0  }
0x29: {  	[tilespmem:s0], [sflag:$0x7] =	stream.linear.gather @!p1 [hbm4b:s2+s22], $0x1F40, $0x38;
	[tilespmem:$0x11A60] =	vst v63  }
0x2a: {  	s0 =	sadd.s32 $0xFFFFFFFF, s24  }
0x2b: {  	p1 =	sge.u32 s0, s10  }
.Ltmp2:
0x2c: {  	_ = 	snop;
	(pc) =	sbr.rel @p1 .LBB2_5-.Ltmp2, $1  }
0x2d: {  	_ =	sdelay $0x3  }
0x2e: {  	s2 =	smulhi.u32 $0xAAAAAAAB, s0;
	_ =	sdelay $0x1  }
0x2f: {  	s2 =	sshrl.u32 s2, $0x1  }
0x30: {  	s2 =	smul.u32 $0x3, s2;
	_ =	sdelay $0x1  }
0x31: {  	s2 =	ssub.s32 s0, s2  }
0x32: {  	s2 =	smul.u32 $0x7D00, s2  }
0x33: {  	_ =	swait.ge [sflag:s7], $0x1F40  }
0x34: {  	[sflag:s7] =	ssyncset.done $0x0;
	s2 =	sshrl.u32 s2, $0x2  }
0x35: {  	[sflag:s7] =	ssyncadd.s32 $0xFFFFE0C0;
	(ifvalue) =	ssetifvalue $0xFFFFFFFF;
	v3 =	vld.msk [tilespmem:s2+$0x100 ss:$0x1], $0xffff;
	_ =	sdelay $0x2  }
0x36: {  	s30 =	smulhi.u32 $0xAAAAAAAB, s18;
	p1 =	sne.s32 s24, $0x1  }
0x37: {  	v4 =	vimm.s32 @!p1 $0x0  }
0x38: {  	s2 =	sshrl.u32 s30, $0x1;
	v4 =	vperm.xlane @!p1 v3, v4  }
0x39: {  	s22 =	sshll.u32 s24, $0x4;
	s2 =	smul.u32 $0xFFFE8900, s2;
	vm4 =	vlt.u32 v3, $0x5400  }
0x3a: {  	s22 =	sand.u32 $0x10, s22;
	v3 =	vnsel vm4, $0xFFFFFFFE, v3;
	vm4 =	vlt.u32 @!p1 v4, $0x5400  }
0x3b: {  	s2 =	sshra.s32 s2, $0x2;
	[tilespmem:s22+$0x60] =	vst v3;
	v3 =	vnsel @!p1 vm4, $0xFFFFFFFE, v4  }
0x3c: {  	s28 =	sadd.s32 s2, s17;
	[tilespmem:$0x80] =	vst @!p1 v3  }
0x3d: {  	v3 =	vld.msk [tilespmem:s28+$0x0 ss:$0x1], $0xffff;
	_ =	sdelay $0x4  }
0x3e: {  	(xrf1) =	vunique.msk.u32 $0xffff, v3;
	_ =	sdelay $0xd  }
0x3f: {  	v4 =	vimm.s32 $0xFFFFFFFF;
	v5, _, _ =	vpop (xrf1)  }
0x40: {  	vm5 =	vne.s32 v3, v4;
	vm4 =	veq.s32 v5, v2  }
0x41: {  	vm6 =	vlt.u32 v3, $0x5400;
	vm4 =	vmand vm5, vm4  }
0x42: {  	vm4 =	vmand vm6, vm4  }
0x43: {  	v4 =	vnsel vm4, $0xFFFFFFFF, v3  }
0x44: {  	s31 =	sand.u32 $0x1, s0  }
0x45: {  	s0 =	simm.s32 $0x1F40;
	p1 =	seq.s32 s31, $0x1  }
0x46: {  	s0 =	simm.s32 @!p1 $0x0  }
0x47: {  	s26 =	sadd.s32 $0x7DF0, s0;
	(ifvalue) =	ssetifvalue $0xFFFFFFFF  }
0x48: {  	v3 =	vperm.xlane v3, v1;
	[tilespmem:s26], [sflag:$0x8] =	stream.indirect_vreg.gather [hbm4b:s1+s16], $0x1, v4, vm0, $0x4038;
	v4 =	vnsel vm6, $0xFFFFFFFE, v4;
	[tilespmem:$0x11A60] =	vst v63  }
0x49: {  	s2 =	simm.s32 $0x0;
	s22 =	sadd.s32 $0xFFFFFFF0, s28;
	[tilespmem:s28+$0x0] =	vst v4  }
.LBB2_3:
0x4a: {  	v4 =	vld.msk [tilespmem:s22+$0x0 ss:$0x1], $0xffff;
	s2 =	sadd.s32 $0x10, s2;
	v5 =	vmov v3;
	s28 =	smov.u32 s22  }
0x4b: {  	p1 =	slt.u32 s2, $0x1F30;
	_ =	sdelay $0x4  }
0x4c: {  	v3 =	vperm.xlane v4, v1;
	(xrf1) =	vunique.msk.u32 $0xffff, v4;
	_ =	sdelay $0xd  }
0x4d: {  	v6, _, _ =	vpop (xrf1)  }
0x4e: {  	vm5 =	vne.s32 v4, v5;
	vm4 =	veq.s32 v6, v2  }
0x4f: {  	vm6 =	vlt.u32 v4, $0x5400;
	vm4 =	vmand vm5, vm4  }
0x50: {  	vm4 =	vmand vm6, vm4  }
0x51: {  	v4 =	vnsel vm4, $0xFFFFFFFF, v4  }
.Ltmp3:
0x52: {  	v5 =	vnsel vm6, $0xFFFFFFFE, v4;
	(pc) =	sbr.rel @p1 .LBB2_3-.Ltmp3, $3  }
0x53: {  	_ =	sdelay $0x1  }
0x54: {  	s22 =	sadd.s32 $0xFFFFFFF0, s22;
	s26 =	sadd.s32 $0xFFFFFFF0, s26;
	(ifvalue) =	ssetifvalue $0xFFFFFFFF  }
0x55: {  	[tilespmem:s26], [sflag:$0x8] =	stream.indirect_vreg.gather [hbm4b:s1+s16], $0x1, v4, vm0, $0x4038;
	[tilespmem:s28+$0x0] =	vst v5  }
0x56: {  	s2 =	sshrl.u32 s25, $0x3  }
0x57: {  	s0 =	sadd.s32 $0x9D40, s0;
	s2 =	sadd.s32 s9, s2  }
0x58: {  	[tilespmem:s0], [sflag:$0x8] =	stream.linear.gather [hbm:s2], $0x1F40, $0x38;
	[tilespmem:$0x11A60] =	vst v63  }
.LBB2_5:
0x59: {  	p1 =	slt.u32 s24, $0x2  }
0x5a: {  	p2 =	sge.u32 @!p1 s24, s12  }
0x5b: {  	p1 =	por p1, p2  }
.Ltmp4:
0x5c: {  	_ = 	snop;
	(pc) =	sbr.rel @p1 .LBB2_9-.Ltmp4, $1  }
0x5d: {  	_ =	sdelay $0x3  }
0x5e: {  	s0 =	sadd.s32 $0xFFFFFFFE, s24  }
0x5f: {  	s2 =	smulhi.u32 $0xAAAAAAAB, s0;
	_ =	sdelay $0x1  }
0x60: {  	s2 =	sshrl.u32 s2, $0x1  }
0x61: {  	s2 =	smul.u32 $0x3, s2;
	_ =	sdelay $0x1  }
0x62: {  	s0 =	ssub.s32 s0, s2  }
0x63: {  	_ =	swait.ge [sflag:s8], $0x3E80;
	s0 =	smul.u32 $0x1F40, s0  }
0x64: {  	p1 =	sne.s32 s24, s11;
	[sflag:s8] =	ssyncset.done $0x0  }
0x65: {  	[sflag:s8] =	ssyncadd.s32 $0xFFFFC180;
	s2 =	sadd.s32 @!p1 $0x203F, s0  }
0x66: {  	[spmem:s14] =	stream.linear.scatter @!p1 [tilespmem:s2], [sflag:$0x1], $0x1, $0x38;
	[tilespmem:$0x11A60] =	vst v63  }
0x67: {  	s2 =	simm.s32 @!p1 $0x1  }
0x68: {  	_ =	swait.ge @!p1 [sflag:s2], $0x1  }
0x69: {  	s22 =	sshll.u32 s24, $0x4;
	[sflag:s2] =	ssyncset.done @!p1 $0x0  }
0x6a: {  	s25 =	sand.u32 $0x10, s22;
	[sflag:s2] =	ssyncadd.s32 @!p1 $0xFFFFFFFF  }
0x6b: {  	s2 =	sxor.u32 $0x10, s25;
	v4 =	vld [tilespmem:s25+$0x10]  }
0x6c: {  	v5 =	vld [tilespmem:s2+$0x60]  }
0x6d: {  	v3 =	vld [tilespmem:$0x80];
	_ =	sdelay $0x2  }
0x6e: {  	(v2sf) =	vpush v4, $0x0  }
0x6f: {  	(v2sf) =	vpush v5, $0x0  }
0x70: {  	(v2sf) =	vpush v3, $0x0;
	_ =	sdelay $0xc  }
0x71: {  	s22 =	spop (v2sf)  }
0x72: {  	s26 =	spop (v2sf)  }
0x73: {  	s28 =	spop (v2sf)  }
0x74: {  	p2 =	seq.s32 s22, s26;
	p3 =	seq.s32 s28, s22  }
0x75: {  	p3 =	por p2, p3  }
0x76: {  	s26 =	sand.u32 $0x1, s24;
	v4 =	vpsel p3, $0xFFFFFFFF, v4  }
0x77: {  	s29 =	smul.u32 $0x1F40, s26;
	[tilespmem:s25+$0x10] =	vst.msk $0x1, v4  }
0x78: {  	v4 =	vld [tilespmem:$0x30]  }
0x79: {  	v5 =	vld [tilespmem:s29+$0x9D40]  }
0x7a: {  	v6 =	vld [tilespmem:s25+$0x40];
	_ =	sdelay $0x3  }
0x7b: {  	vm4 =	vmmov vm1;
	v5 =	vadd.f32 v5, v4  }
0x7c: {  	vm5 =	vmmov vm2;
	vm4 =	vmmov @p2 vm2;
	s22 =	sshll.u32 s26, $0x4;
	v4 =	vadd.f32 v6, v4  }
0x7d: {  	s26 =	sor.u32 $0x11A40, s22;
	vm5 =	vmmov @p3 vm1;
	[tilespmem:s29+$0x9D40] =	vst.msk vm4, v5  }
0x7e: {  	[tilespmem:s26+$0x0] =	vst.msk vm5, v4  }
0x7f: {  	v4 =	vld [tilespmem:s29+$0x7DF0];
	_ =	sdelay $0x3  }
0x80: {  	v5 =	vimm.f32 $0.0e+00  }
0x81: {  	v4 =	vshift.insert v4, v5, s21  }
0x82: {  	s22 =	sor.u32 $0x40, s2  }
0x83: {  	[tilespmem:s22+$0x0] =	vst.msk $0x1, v4  }
0x84: {  	[tilespmem:s29+$0x7DFF] =	vst.msk $0x1, v5  }
0x85: {  	v4 =	vld [tilespmem:s0+$0x2030];
	_ =	sdelay $0x1  }
0x86: {  	s22 =	smulhi.u32 $0xAAAAAAAB, s20;
	s0 =	simm.s32 $0x1  }
0x87: {  	s0 =	simm.s32 @!p0 $0x0  }
0x88: {  	s22 =	sshrl.u32 s22, $0x1;
	s0 =	smul.u32 $0x7D00, s0  }
0x89: {  	s22 =	smul.u32 $0xFFFE8900, s22;
	v4 =	vshift.insert v4, v1, s21  }
0x8a: {  	s0 =	sshrl.u32 s0, $0x2  }
0x8b: {  	s22 =	sshra.s32 s22, $0x2;
	s30 =	sadd.s32 $0x9D40, s0;
	[tilespmem:s2+$0x10] =	vst.msk $0x1, v4  }
0x8c: {  	s22 =	sadd.s32 s22, s19;
	v6 =	vld [tilespmem:s30+$0x0]  }
0x8d: {  	v7 =	vld [tilespmem:s22+$0x0];
	_ =	sdelay $0x3  }
0x8e: {  	v5 =	vadd.f32 v6, v5  }
0x8f: {  	vm4 =	vne.s32 v7, $0xFFFFFFFF  }
0x90: {  	(xrf2) =	vadd.seg.scan.f32 vm4, v5;
	_ =	sdelay $0x3  }
0x91: {  	s31 =	sadd.s32 $0x5EC0, s0;
	v5 =	vperm.xlane v4, v1  }
0x92: {  	v6 =	vld [tilespmem:s31+$0x0]  }
0x93: {  	vm5 =	veq.s32 v7, v3;
	vm6 =	veq.s32 v7, v5  }
0x94: {  	vm7 =	vgt.u32 v7, $0xFFFFFFFD;
	vm6 =	vmor vm6, vm5  }
0x95: {  	vm6 =	vmor vm6, vm7  }
0x96: {  	v9 =	vld [tilespmem:$0xA0];
	v7 =	vsel vm6, $0xFFFFFFFF, v7  }
0x97: {  	v10 =	vld [tilespmem:$0x90];
	v6 =	vsel vm5, $0x0, v6;
	v8, _, _ =	vpop (xrf2)  }
0x98: {  	v6 =	vadd.f32 v8, v6  }
0x99: {  	s0 =	sadd.s32 $0xDBC0, s0  }
0x9a: {  	vm4 =	vmand vm4, vm3;
	[tilespmem:s0+$0x0] =	vst v6;
	(ifvalue) =	ssetifvalue $0xFFFFFFFF  }
0x9b: {  	vm6 =	veq.s32 v9, $0x1;
	[hbm4b:s1+s16] =	stream.indirect_vreg.scatter [tilespmem:s0], [sflag:$0x2], $0x1, v7, vm0, $0x4038;
	v7 =	vsel vm4, $0x0, v8;
	[tilespmem:$0x11A60] =	vst v63  }
0x9c: {  	s2 =	simm.s32 $0x0;
	s22 =	sadd.s32 $0x10, s22;
	vm4 =	vmor vm6, vm5;
	v6 =	vsel vm5, v8, v10;
	v7 =	vshift.insert v7, v0, s21  }
.LBB2_7:
0x9d: {  	v8 =	vld [tilespmem:s22+$0x0];
	s30 =	sadd.s32 $0x10, s30  }
0x9e: {  	s31 =	sadd.s32 $0x10, s31;
	v9 =	vld [tilespmem:s30+$0x0]  }
0x9f: {  	s2 =	sadd.s32 $0x10, s2;
	v10 =	vld [tilespmem:s31+$0x0]  }
0xa0: {  	p2 =	slt.u32 s2, $0x1F30;
	_ =	sdelay $0x2  }
0xa1: {  	v7 =	vadd.f32 v9, v7  }
0xa2: {  	vm5 =	vne.s32 v8, $0xFFFFFFFF  }
0xa3: {  	vm6 =	vmand vm5, vm3;
	(xrf2) =	vadd.seg.scan.f32 vm5, v7;
	_ =	sdelay $0x5  }
0xa4: {  	vm7 =	veq.s32 v8, v5;
	vm5 =	veq.s32 v8, v3  }
0xa5: {  	vm8 =	vgt.u32 v8, $0xFFFFFFFD;
	vm4 =	vmor vm4, vm5;
	vm7 =	vmor vm7, vm5  }
0xa6: {  	vm7 =	vmor vm7, vm8  }
0xa7: {  	v8 =	vsel vm7, $0xFFFFFFFF, v8  }
.Ltmp5:
0xa8: {  	v7 =	vsel vm5, $0x0, v10;
	v9, _, _ =	vpop (xrf2);
	(pc) =	sbr.rel @p2 .LBB2_7-.Ltmp5, $4  }
0xa9: {  	v6 =	vsel vm5, v9, v6;
	v10 =	vadd.f32 v9, v7;
	v7 =	vsel vm6, $0x0, v9  }
0xaa: {  	s0 =	sadd.s32 $0x10, s0;
	v7 =	vshift.insert v7, v0, s21  }
0xab: {  	s22 =	sadd.s32 $0x10, s22;
	[tilespmem:s0+$0x0] =	vst v10;
	(ifvalue) =	ssetifvalue $0xFFFFFFFF  }
0xac: {  	[hbm4b:s1+s16] =	stream.indirect_vreg.scatter [tilespmem:s0], [sflag:$0x2], $0x1, v8, vm0, $0x4038;
	[tilespmem:$0x11A60] =	vst v63  }
0xad: {  	v3 =	vld [tilespmem:s29+$0xFAF0];
	_ =	sdelay $0x4  }
0xae: {  	v3 =	vshift.insert v3, v0, s21  }
0xaf: {  	s0 =	simm.s32 $0x30  }
0xb0: {  	[tilespmem:s0+$0x0] =	vst.msk $0x1, v3  }
0xb1: {  	v3 =	vsel vm4, $0x1, v1;
	[tilespmem:$0x90] =	vst v6  }
0xb2: {  	s0 =	sadd.s32 @!p1 $0xFAFF, s29;
	[tilespmem:$0xA0] =	vst v3  }
0xb3: {  	[spmem:s15] =	stream.linear.scatter @!p1 [tilespmem:s0], [sflag:$0x1], $0x1, $0x38;
	[tilespmem:$0x11A60] =	vst v63  }
0xb4: {  	s0 =	simm.s32 @!p1 $0x1  }
0xb5: {  	v3 =	vmctz.xlane @!p1 vm4;
	_ =	swait.ge @!p1 [sflag:s0], $0x1  }
0xb6: {  	(v2sf) =	vpush @!p1 v4, $0x0  }
0xb7: {  	(v2sf) =	vpush @!p1 v3, $0x0;
	_ =	sdelay $0xd  }
0xb8: {  	s2 =	spop @!p1 (v2sf)  }
0xb9: {  	s22 =	spop @!p1 (v2sf)  }
0xba: {  	p2 =	sne.s32 @!p1 s28, s2;
	p3 =	slt.s32 @!p1 s22, $0xF  }
0xbb: {  	[sflag:s0] =	ssyncset.done @!p1 $0x0;
	p2 =	por p2, p1;
	p3 =	por !p3, p1  }
0xbc: {  	[sflag:s0] =	ssyncadd.s32 @!p1 $0xFFFFFFFF;
	v3 =	vimm.s32 @!p2 $0xFFFFFFFF;
	s22 =	simm.s32 @p3 $0xF  }
0xbd: {  	[tilespmem:$0x80] =	vst @!p2 v3;
	s2 =	sadd.s32 @!p1 $0x90, s22  }
0xbe: {  	[spmem:s3] =	stream.linear.scatter @!p1 [tilespmem:s2], [sflag:$0x1], $0x1, $0x38;
	[tilespmem:$0x11A60] =	vst v63  }
0xbf: {  	_ =	swait.ge @!p1 [sflag:s0], $0x1  }
0xc0: {  	[sflag:s0] =	ssyncset.done @!p1 $0x0  }
0xc1: {  	s2 =	simm.s32 @!p1 $0x80;
	[sflag:s0] =	ssyncadd.s32 @!p1 $0xFFFFFFFF  }
0xc2: {  	[spmem:s13] =	stream.linear.scatter @!p1 [tilespmem:s2], [sflag:$0x1], $0x1, $0x38;
	[tilespmem:$0x11A60] =	vst v63  }
0xc3: {  	_ =	swait.ge @!p1 [sflag:s0], $0x1  }
0xc4: {  	[sflag:s0] =	ssyncset.done @!p1 $0x0  }
0xc5: {  	[sflag:s0] =	ssyncadd.s32 @!p1 $0xFFFFFFFF;
	(ifvalue) =	ssetifvalue $0xFFFFFFFF;
	v3 =	vld [tilespmem:s25+$0x10];
	_ =	sdelay $0x3  }
.Ltmp6:
0xc6: {  	_ = 	snop;
	(pc) =	sbr.rel .LBB2_9-.Ltmp6, $3  }
0xc7: {  	_ =	sdelay $0x1  }
0xc8: {  	(ifvalue) =	ssetifvalue $0xFFFFFFFF  }
0xc9: {  	[hbm4b:s1+s16] =	stream.indirect_vreg.scatter [tilespmem:s26], [sflag:$0x9], $0x1, v3, vm0, $0x4038;
	[tilespmem:$0x11A60] =	vst v63  }
.LBB2_10:
0xca: {  	_ =	sfence.sel $0x180000  }
0xcb: {  	s0 =	simm.s32 $0x7;
	[bflag:$0x0] =	sbarrier.arrive $0xFFFF  }
0xcc: {  	s26 =	simm.s32 $0x8;
	[sflag:s0] =	ssyncpa.u1 $0x1  }
0xcd: {  	s28 =	simm.s32 $0x9;
	[sflag:s26] =	ssyncpa.u1 $0x1  }
0xce: {  	[sflag:s28] =	ssyncpa.u1 $0x1  }
0xcf: {  	_ =	sfence.stream.spmem  }
0xd0: {  	s29 =	simm.s32 $0x3;
	[bflag:$0x0] =	sbarrier.arrive $0xFFFF  }
0xd1: {  	s30 =	simm.s32 $0x4;
	[sflag:s29] =	ssyncpa.u1 $0x1  }
0xd2: {  	s31 =	simm.s32 $0x3C;
	s2 =	stileid.u32;
	[sflag:s30] =	ssyncpa.u1 $0x1  }
0xd3: {  	p0 =	sne.s32 s2, $0x0;
	[sflag:s31] =	ssyncpa.u1 $0x1  }
0xd4: {  	s0 =	simm.s32 @p0 $0x1;
	_ =	sfence @p0  }
0xd5: {  	[sflag:s0] =	ssyncpa.u1 @p0 $0x1;
	s0 =	simm.s32 @p0 $0x2  }
0xd6: {  	[sflag:s0] =	ssyncpa.u1 @p0 $0x1  }
0xd7: {  	_ =	strace @p0 $0x90000047  }
0xd8: {  	[bflag:$0x2] =	sbarrier.arrive @p0 $0xFFFF  }
0xd9: {  	_ =	shalt @p0  }
.LBB2_11:
0xda: {  	_ =	sfence.stream.spmem;
	s0 =	simm.s32 $0x5  }
0xdb: {  	s2 =	simm.s32 $0x80;
	s3 =	simm.s32 $0xC0;
	[sflag:s0] =	ssyncpa.u1 $0x0  }
0xdc: {  	[tilespmem:s3], [sflag:$0x5] =	stream.linear.gather [spmem:s2], $0x20, $0x38;
	[tilespmem:$0x11A60] =	vst v63  }
0xdd: {  	s2 =	simm.s32 $0x0;
	s3 =	simm.s32 $0xE0  }
0xde: {  	[tilespmem:s3], [sflag:$0x5] =	stream.linear.gather [spmem:s2], $0x20, $0x38;
	[tilespmem:$0x11A60] =	vst v63  }
.Ltmp7:
0xdf: {  	_ = 	snop;
	(pc) =	sbr.rel .LBB2_12-.Ltmp7, $4  }
0xe0: {  	_ =	swait.ge [sflag:s0], $0x40  }
0xe1: {  	[sflag:s0] =	ssyncset.done $0x0  }
0xe2: {  	s31 =	simm.s32 $0x6;
	[sflag:s0] =	ssyncadd.s32 $0xFFFFFFC0  }
0xe3: {  	s4 =	simm.s32 $0x0;
	[sflag:s31] =	ssyncpa.u1 $0x0  }
.LBB2_17:
0xe4: {  	p0 =	sgt.u32 s5, $0x53FF  }
0xe5: {  	s0 =	sshrl.u32 @!p0 s5, $0x3  }
0xe6: {  	s5 =	sand.u32 @!p0 $0x7, s5;
	s6 =	simm.s32 @!p0 $0xB0;
	s0 =	sadd.s32 @!p0 s1, s0  }
0xe7: {  	[tilespmem:s6], [sflag:$0x6] =	stream.linear.gather @!p0 [hbm4b:s0+s5], $0x1, $0x38;
	[tilespmem:$0x11A60] =	vst v63  }
0xe8: {  	s0 =	simm.s32 @!p0 $0x6  }
0xe9: {  	_ =	swait.ge @!p0 [sflag:s0], $0x1  }
0xea: {  	[sflag:s0] =	ssyncset.done @!p0 $0x0  }
0xeb: {  	[sflag:s0] =	ssyncadd.s32 @!p0 $0xFFFFFFFF  }
0xec: {  	v2 =	vmov @!p0 s4;
	v1 =	vld.msk @!p0 [tilespmem:$0xB0], $0x1;
	_ =	sdelay $0x3  }
0xed: {  	s0 =	simm.s32 @!p0 $0xE0  }
0xee: {  	[tilespmem:v2+s0+$0x0], v1 =	vst.idx.ret.add.f32.msk @!p0 $0x1, v1  }
0xef: {  	[tilespmem:s2+$0xC0] =	vst.msk $0x1, v0  }
0xf0: {  	v0 =	vld.msk [tilespmem:s4+$0xE0], $0x1;
	_ =	sdelay $0x4  }
0xf1: {  	[tilespmem:s2+$0xE0] =	vst.msk $0x1, v0;
	s2 =	sadd.s32 $0x1, s2  }
.LBB2_19:
0xf2: {  	s4 =	sadd.s32 $0x1, s4  }
0xf3: {  	p0 =	sne.s32 s4, $0x20  }
.Ltmp8:
0xf4: {  	_ = 	snop;
	(pc) =	sbr.rel @!p0 .LBB2_20-.Ltmp8, $1  }
0xf5: {  	_ =	sdelay $0x3  }
.LBB2_12:
0xf6: {  	v0 =	vld.msk [tilespmem:s4+$0xC0], $0x1;
	_ =	sdelay $0x4  }
0xf7: {  	(v2sf) =	vpush v0, $0x0;
	_ =	sdelay $0xe  }
0xf8: {  	s5 =	spop (v2sf)  }
0xf9: {  	p0 =	seq.s32 s5, $0xFFFFFFFF  }
.Ltmp9:
0xfa: {  	_ = 	snop;
	(pc) =	sbr.rel @p0 .LBB2_19-.Ltmp9, $1  }
0xfb: {  	_ =	sdelay $0x3  }
0xfc: {  	p0 =	slt.s32 s2, $0x1  }
.Ltmp10:
0xfd: {  	_ = 	snop;
	(pc) =	sbr.rel @p0 .LBB2_17-.Ltmp10, $1  }
0xfe: {  	_ =	sdelay $0x3  }
0xff: {  	s0 =	simm.s32 $0xC0;
	p0 =	por $0x0, $0x0  }
0x100: {  	v1 =	vld.msk @!p0 [tilespmem:s0+$0x0], $0x1;
	_ =	sdelay $0x4  }
0x101: {  	(v2sf) =	vpush @!p0 v1, $0x0;
	_ =	sdelay $0xd  }
0x102: {  	p2 =	sne.s32 s2, $0x1  }
.Ltmp11:
0x103: {  	s6 =	spop @!p0 (v2sf);
	(pc) =	sbr.rel @!p2 .LBB2_16-.Ltmp11, $4  }
0x104: {  	p1 =	seq.s32 @!p0 s5, s6  }
0x105: {  	s6 =	simm.s32 $0x0;
	p1 =	por !p1, p0  }
0x106: {  	s8 =	simm.s32 $0xFFFFFFFF;
	s6 =	simm.s32 @p1 $0xFFFFFFFF  }
0x107: {  	s7 =	simm.s32 $0x1;
	s6 =	smov.u32 @p0 s8  }
.LBB2_15:
0x108: {  	s8 =	smov.u32 s6;
	p0 =	sne.s32 s6, $0xFFFFFFFF  }
0x109: {  	s0 =	sadd.s32 $0x1, s0;
	s6 =	smov.u32 s7;
	s7 =	sadd.s32 $0x1, s7  }
0x10a: {  	p1 =	sne.s32 s2, s7;
	v1 =	vld.msk @!p0 [tilespmem:s0+$0x0], $0x1;
	_ =	sdelay $0x4  }
0x10b: {  	(v2sf) =	vpush @!p0 v1, $0x0;
	_ =	sdelay $0xe  }
.Ltmp12:
0x10c: {  	s9 =	spop @!p0 (v2sf);
	(pc) =	sbr.rel @p1 .LBB2_15-.Ltmp12, $4  }
0x10d: {  	p2 =	seq.s32 @!p0 s5, s9  }
0x10e: {  	p2 =	por !p2, p0  }
0x10f: {  	s6 =	simm.s32 @p2 $0xFFFFFFFF  }
0x110: {  	s6 =	smov.u32 @p0 s8  }
.LBB2_16:
0x111: {  	p0 =	sne.s32 s6, $0xFFFFFFFF  }
.Ltmp13:
0x112: {  	_ = 	snop;
	(pc) =	sbr.rel @!p0 .LBB2_17-.Ltmp13, $1  }
0x113: {  	_ =	sdelay $0x3  }
0x114: {  	v0 =	vld.msk [tilespmem:s4+$0xE0], $0x1;
	v1 =	vmov s6  }
.Ltmp14:
0x115: {  	_ = 	snop;
	(pc) =	sbr.rel .LBB2_19-.Ltmp14, $2  }
0x116: {  	_ =	sdelay $0x2  }
0x117: {  	[tilespmem:v1+s3+$0x0], v0 =	vst.idx.ret.add.f32.msk $0x1, v0  }
.LBB2_20:
0x118: {  	p0 =	slt.s32 s2, $0x1  }
.Ltmp15:
0x119: {  	_ = 	snop;
	(pc) =	sbr.rel @p0 .LBB2_24-.Ltmp15, $3  }
0x11a: {  	_ =	sdelay $0x1  }
0x11b: {  	s0 =	simm.s32 $0x6  }
0x11c: {  	s3 =	simm.s32 $0x0;
	[sflag:s0] =	ssyncpa.u1 $0x1  }
0x11d: {  	s0 =	simm.s32 $0xC0  }
0x11e: {  	v0 =	vld.msk [tilespmem:s0+$0x0], $0x1;
	_ =	sdelay $0x4  }
0x11f: {  	(v2sf) =	vpush v0, $0x0;
	_ =	sdelay $0xe  }
0x120: {  	s2 =	sadd.s32 $0xFFFFFFFF, s2;
	s4 =	spop (v2sf)  }
0x121: {  	p1 =	sne.s32 s2, $0x0;
	p0 =	sgt.u32 s4, $0x53FF  }
.Ltmp16:
0x122: {  	s5 =	sshrl.u32 @!p0 s4, $0x3;
	(pc) =	sbr.rel @!p1 .LBB2_23-.Ltmp16, $4  }
0x123: {  	s0 =	simm.s32 $0xE0;
	s4 =	sand.u32 @!p0 $0x7, s4;
	s5 =	sadd.s32 @!p0 s1, s5  }
0x124: {  	[hbm4b:s5+s4] =	stream.linear.scatter @!p0 [tilespmem:s0], [sflag:$0x5], $0x1, $0x38;
	[tilespmem:$0x11A60] =	vst v63  }
0x125: {  	s5 =	simm.s32 $0x0  }
0x126: {  	s4 =	simm.s32 $0xC1;
	s5 =	simm.s32 @!p0 $0x4  }
.LBB2_22:
0x127: {  	v0 =	vld.msk [tilespmem:s4+$0x0], $0x1;
	s2 =	sadd.s32 $0xFFFFFFFF, s2;
	s3 =	sadd.s32 s3, s5  }
0x128: {  	p0 =	sne.s32 s2, $0x0;
	_ =	sdelay $0x3  }
0x129: {  	(v2sf) =	vpush v0, $0x0;
	_ =	sdelay $0xe  }
.Ltmp17:
0x12a: {  	s6 =	spop (v2sf);
	(pc) =	sbr.rel @p0 .LBB2_22-.Ltmp17, $4  }
0x12b: {  	s5 =	simm.s32 $0x0;
	p1 =	sgt.u32 s6, $0x53FF  }
0x12c: {  	s0 =	sadd.s32 $0x1, s0;
	s5 =	simm.s32 @!p1 $0x4;
	s7 =	sshrl.u32 @!p1 s6, $0x3  }
0x12d: {  	s4 =	sadd.s32 $0x1, s4;
	s6 =	sand.u32 @!p1 $0x7, s6;
	s7 =	sadd.s32 @!p1 s1, s7  }
0x12e: {  	[hbm4b:s7+s6] =	stream.linear.scatter @!p1 [tilespmem:s0], [sflag:$0x5], $0x1, $0x38;
	[tilespmem:$0x11A60] =	vst v63  }
.LBB2_23:
0x12f: {  	s0 =	sadd.s32 s3, s5  }
0x130: {  	s3 =	sshrl.u32 s0, $0x2  }
.LBB2_24:
0x131: {  	s0 =	simm.s32 $0x5  }
0x132: {  	_ =	swait.ge [sflag:s0], s3  }
0x133: {  	s1 =	ssub.s32 $0x0, s3;
	[sflag:s0] =	ssyncset.done $0x0  }
0x134: {  	[sflag:s0] =	ssyncadd.s32 s1  }
0x135: {  	[sflag:s0] =	ssyncpa.u1 $0x1  }
0x136: {  	s29 =	simm.s32 $0x1;
	_ =	sfence  }
0x137: {  	s30 =	simm.s32 $0x2;
	[sflag:s29] =	ssyncpa.u1 $0x1  }
0x138: {  	[sflag:s30] =	ssyncpa.u1 $0x1  }
0x139: {  	_ =	strace $0x90000047  }
0x13a: {  	[bflag:$0x2] =	sbarrier.arrive $0xFFFF  }
0x13b: {  	s31 =	rddreg [dreg:$0x1]  }
0x13c: {  	s0 =	sadd.s32 $0x100000, s31  }
0x13d: {  	[sflag:s0] =	ssyncadd.tile.s32 $0x1;
	_ =	shalt  }
.Lfunc_end2:
_tile_overlayer_lowered:
.L_overlay_start_2:
0x13e: {  	(tag) =	ssettag $0x2  }
0x13f: {  	s0 =	rddreg [dreg:$0x0];
	s2 =	stileid.u32  }
0x140: {  	s1 =	rddreg [dreg:$0x1];
	p0 =	sne.s32 s2, $0x0  }
0x141: {  	s3 =	rddreg [dreg:$0x2];
	[bflag:$0x3] =	sbarrier.arrive $0xFFFF;
	s2 =	simm.s32 @!p0 $0x1C01  }
0x142: {  	[timem:s3], [sflag:s2] =	dma.local @!p0 [hbm:s0], s1  }
0x143: {  	s0 =	simm.s32 @!p0 $0x1  }
0x144: {  	_ =	swait.ge @!p0 [sflag:s0], s1  }
0x145: {  	s1 =	ssub.s32 @!p0 $0x0, s1;
	[sflag:s0] =	ssyncset.done @!p0 $0x0  }
0x146: {  	[sflag:s0] =	ssyncadd.s32 @!p0 s1  }
0x147: {  	[bflag:$0x3] =	sbarrier.arrive $0xFFFF  }
0x148: {  	_ =	shalt  }

</sc_bundles>
